<compile_context>
chip_gen: v7x
topology: tpu7x:2x2x1
jax: 0.10.2.dev20260603
libtpu: 0.0.44.dev20260713+nightly
codegen_flags: <defaults>
</compile_context>

<pallas_src>
import functools
import jax
import jax.numpy as jnp
import numpy as np
from jax import lax
from jax.experimental import pallas as pl
from jax.experimental.pallas import tpu as pltpu

Q = 1024
K = 100000
DIM = 64
C = 32
K1 = 100
TOPK = 5

KPAD = 102400
BK = 2048
NBLK = KPAD // BK
NROW64 = 64
CW = 128


def _distsel_body(q_ref, k_ref, qsq_ref, ksq_ref, outd_ref, outi_ref, d64_ref,
                  d_scr):
    i = pl.program_id(0)
    q = q_ref[...]
    k = k_ref[...]
    lane = jax.lax.broadcasted_iota(jnp.int32, (Q, BK), 1)
    lane_c = jax.lax.broadcasted_iota(jnp.int32, (Q, CW), 1)
    qk = jax.lax.dot_general(q, k, (((1,), (1,)), ((), ())),
                             preferred_element_type=jnp.float32)
    d = qsq_ref[...] + ksq_ref[...] - 2.0 * qk
    d64_ref[...] = d[:NROW64, :]
    d_scr[...] = d

    @pl.when(i == 0)
    def _init():
        outd_ref[...] = jnp.full((Q, CW), jnp.inf, dtype=jnp.float32)
        outi_ref[...] = jnp.zeros((Q, CW), dtype=jnp.int32)

    M = jnp.where(lane_c < TOPK, outd_ref[...], jnp.float32(jnp.inf))
    Mi = jnp.where(lane_c < TOPK, outi_ref[...], jnp.int32(0))
    for t in range(TOPK):
        dd = d_scr[...]
        m = jnp.min(dd, axis=1, keepdims=True)
        a = jnp.min(jnp.where(dd == m, lane, jnp.int32(BK)), axis=1,
                    keepdims=True)
        d_scr[...] = jnp.where(lane == a, jnp.float32(jnp.inf), dd)
        M = jnp.where(lane_c == TOPK + t, m, M)
        Mi = jnp.where(lane_c == TOPK + t, a + i * BK, Mi)

    nd = jnp.full((Q, CW), jnp.inf, dtype=jnp.float32)
    ni = jnp.zeros((Q, CW), dtype=jnp.int32)
    for t in range(TOPK):
        m = jnp.min(M, axis=1, keepdims=True)
        a = jnp.min(jnp.where(M == m, lane_c, jnp.int32(CW)), axis=1,
                    keepdims=True)
        mid = jnp.min(jnp.where(lane_c == a, Mi, jnp.int32(2**30)), axis=1,
                      keepdims=True)
        M = jnp.where(lane_c == a, jnp.float32(jnp.inf), M)
        nd = jnp.where(lane_c == t, m, nd)
        ni = jnp.where(lane_c == t, mid, ni)
    outd_ref[...] = nd
    outi_ref[...] = ni


def _dist_select(queries, keys_pad, q_sq, k_sq_pad):
    return pl.pallas_call(
        _distsel_body,
        grid=(NBLK,),
        in_specs=[
            pl.BlockSpec((Q, DIM), lambda i: (0, 0)),
            pl.BlockSpec((BK, DIM), lambda i: (i, 0)),
            pl.BlockSpec((Q, 1), lambda i: (0, 0)),
            pl.BlockSpec((1, BK), lambda i: (0, i)),
        ],
        out_specs=[
            pl.BlockSpec((Q, CW), lambda i: (0, 0)),
            pl.BlockSpec((Q, CW), lambda i: (0, 0)),
            pl.BlockSpec((NROW64, BK), lambda i: (0, i)),
        ],
        out_shape=[
            jax.ShapeDtypeStruct((Q, CW), jnp.float32),
            jax.ShapeDtypeStruct((Q, CW), jnp.int32),
            jax.ShapeDtypeStruct((NROW64, KPAD), jnp.float32),
        ],
        scratch_shapes=[pltpu.VMEM((Q, BK), jnp.float32)],
    )(queries, keys_pad, q_sq, k_sq_pad)


def kernel(queries, keys, query_categories, key_categories, complex_weight, WU, aU):
    keys_pad = jnp.pad(keys, ((0, KPAD - K), (0, 0)))
    q_sq = jnp.sum(queries * queries, axis=1, keepdims=True)
    k_sq = jnp.sum(keys * keys, axis=1)
    k_sq_pad = jnp.pad(k_sq, (0, KPAD - K), constant_values=1e30)[None, :]
    outd, outi, d64 = _dist_select(queries, keys_pad, q_sq, k_sq_pad)
    D5 = outd[:, :TOPK]
    I5 = outi[:, :TOPK]

    negd, I100 = jax.lax.top_k(-d64, K1)

    simu_category = key_categories[I5].astype(bool)
    currentu_category = jnp.broadcast_to(
        query_categories[:, None, :].astype(bool), simu_category.shape)
    remain_category = jnp.logical_and(
        jnp.logical_xor(currentu_category, simu_category), simu_category)
    mask = 1e20 * (1.0 - jnp.any(remain_category, axis=2).astype(jnp.float32))
    Dmat = D5 + mask

    index = jnp.argsort(Dmat, axis=0)
    line_id = jnp.tile(jnp.arange(Q).reshape(-1, 1), (1, TOPK)) * TOPK
    flat_pos = (line_id + index).reshape(-1)
    new_I = I100.reshape(-1)[flat_pos].reshape(Q, TOPK)
    simu_embed = keys[new_I]

    x = jnp.fft.rfft(simu_embed, axis=1, norm='ortho')
    weight = complex_weight[..., 0] + 1j * complex_weight[..., 1]
    weight = weight[:, :TOPK // 2 + 1, :]
    x = x * weight
    simu_embed = jnp.fft.irfft(x, n=TOPK, axis=1, norm='ortho')
    Wsimu_embed = (simu_embed.reshape(-1, DIM) @ WU).reshape(Q, -1, DIM)
    Wu_embed = jnp.repeat((queries @ WU)[:, None, :], TOPK, axis=1)
    W_embed = jnp.concatenate([Wsimu_embed, Wu_embed], axis=2)
    Wa_embed = jax.nn.leaky_relu(jnp.einsum('bij,j->bi', W_embed, aU),
                                 negative_slope=0.1)
    alpha_embed = jax.nn.softmax(Wa_embed, axis=1)
    anchor_user_embed = jnp.sum(Wsimu_embed * alpha_embed[:, :, None], axis=1)
    return anchor_user_embed

# --- scband reference (transcript-rebuilt; emitter-appended) ---
"""Pipeline reference for scband-dgrec-76922864272029 (READ-ONLY COPY).

The authoritative reference and input builder live on the scoring server;
editing this copy changes nothing except your own understanding.
"""

import jax, jax.numpy as jnp
import numpy as np

Q = 1024
K = 100000
DIM = 64
C = 32
K1 = 100
TOPK = 5

def setup_inputs(seed: int = 0) -> dict:
    key = jax.random.key(seed)
    ks = jax.random.split(key, 8)
    queries = jax.random.normal(ks[0], (Q, DIM), dtype=jnp.float32)
    keys = jax.random.normal(ks[1], (K, DIM), dtype=jnp.float32)
    query_categories = jax.random.randint(ks[2], (Q, C), 0, 2).astype(jnp.int32)
    key_categories = jax.random.randint(ks[3], (K, C), 0, 2).astype(jnp.int32)
    complex_weight = (jax.random.normal(ks[4], (1, TOPK // 2 + 1, DIM, 2), dtype=jnp.float32) * 0.02)
    WU = jax.random.normal(ks[5], (DIM, DIM), dtype=jnp.float32) * (1.0 / np.sqrt(DIM))
    aU = jax.random.normal(ks[6], (2 * DIM,), dtype=jnp.float32) * 0.1
    return {
        'queries': queries,
        'keys': keys,
        'query_categories': query_categories,
        'key_categories': key_categories,
        'complex_weight': complex_weight,
        'WU': WU,
        'aU': aU,
    }

def _knn_anchor(queries, keys, query_categories, key_categories, complex_weight, WU, aU):
    # Brute-force exact L2 KNN (replaces faiss HNSW64 index.search(user_embedding, k1))
    q_sq = jnp.sum(queries * queries, axis=1, keepdims=True)
    k_sq = jnp.sum(keys * keys, axis=1)
    dist = q_sq + k_sq[None, :] - 2.0 * (queries @ keys.T)
    negD, I = jax.lax.top_k(-dist, K1)
    Dmat = -negD  # [Q, K1] ascending L2 distances, I: [Q, K1] neighbor ids
    # Category-based masking (faithful to original boolean logic)
    simu_category = key_categories[I].astype(bool)  # [Q, K1, C]
    currentu_category = jnp.broadcast_to(query_categories[:, None, :].astype(bool), simu_category.shape)
    remain_category = jnp.logical_and(jnp.logical_xor(currentu_category, simu_category), simu_category)
    mask = 1e20 * (1.0 - jnp.any(remain_category, axis=2).astype(jnp.float32))
    Dmat = Dmat + mask
    # Faithful replication of original indexing (np.argsort over axis=0)
    index = jnp.argsort(Dmat, axis=0)[:, :TOPK]  # [Q, TOPK]
    line_id = jnp.tile(jnp.arange(index.shape[0]).reshape(-1, 1), (1, index.shape[1])) * index.shape[1]
    new_I = I.reshape(-1)[(line_id + index).reshape(-1)].reshape(index.shape[0], -1)  # [Q, TOPK]
    simu_embed = keys[new_I]  # gather neighbor embeddings [Q, TOPK, DIM]
    # Frequency-domain filtering over the neighbor axis
    x = jnp.fft.rfft(simu_embed, axis=1, norm='ortho')
    weight = complex_weight[..., 0] + 1j * complex_weight[..., 1]  # [1, TOPK//2+1, DIM]
    weight = weight[:, :TOPK // 2 + 1, :]
    x = x * weight
    simu_embed = jnp.fft.irfft(x, n=TOPK, axis=1, norm='ortho')
    batch_size = simu_embed.shape[0]
    repeat_times = simu_embed.shape[1]
    Wsimu_embed = (simu_embed.reshape(-1, DIM) @ WU).reshape(batch_size, -1, DIM)
    Wu_embed = jnp.repeat((queries @ WU)[:, None, :], repeat_times, axis=1)
    W_embed = jnp.concatenate([Wsimu_embed, Wu_embed], axis=2)
    Wa_embed = jax.nn.leaky_relu(jnp.einsum('bij,j->bi', W_embed, aU), negative_slope=0.1)
    alpha_embed = jax.nn.softmax(Wa_embed, axis=1)
    anchor_user_embed = jnp.sum(Wsimu_embed * alpha_embed[:, :, None], axis=1)
    return anchor_user_embed

def reference(queries, keys, query_categories, key_categories, complex_weight, WU, aU):
    return _knn_anchor(queries, keys, query_categories, key_categories, complex_weight, WU, aU)

if __name__ == "__main__":
    import jax
    _d = setup_inputs()
    print(jax.jit(kernel)(*tuple(_d.values())))

</pallas_src>

<mosaic_0001>
module attributes {stable_mosaic.version = 14 : i64} {
  func.func @_distsel_body(%arg0: i32, %arg1: memref<1024x64xf32, #tpu.memory_space<vmem>>, %arg2: memref<2048x64xf32, #tpu.memory_space<vmem>>, %arg3: memref<1024x1xf32, #tpu.memory_space<vmem>>, %arg4: memref<1x2048xf32, #tpu.memory_space<vmem>>, %arg5: memref<1024x128xf32, #tpu.memory_space<vmem>>, %arg6: memref<1024x128xi32, #tpu.memory_space<vmem>>, %arg7: memref<64x2048xf32, #tpu.memory_space<vmem>>, %arg8: memref<1024x2048xf32, #tpu.memory_space<vmem>>) attributes {dimension_semantics = [#tpu.dimension_semantics<arbitrary>], iteration_bounds = array<i64: 50>, scalar_prefetch = 0 : i64, scratch_operands = 1 : i64, tpu.core_type = #tpu.core_type<tc>, window_params = [{pipeline_mode = #tpu.pipeline_mode<synchronous>, transform_indices = @transform_0, window_bounds = array<i64: 1024, 64>}, {transform_indices = @transform_1, window_bounds = array<i64: 2048, 64>}, {pipeline_mode = #tpu.pipeline_mode<synchronous>, transform_indices = @transform_2, window_bounds = array<i64: 1024, 1>}, {transform_indices = @transform_3, window_bounds = array<i64: 1, 2048>}, {pipeline_mode = #tpu.pipeline_mode<synchronous>, transform_indices = @transform_4, window_bounds = array<i64: 1024, 128>}, {pipeline_mode = #tpu.pipeline_mode<synchronous>, transform_indices = @transform_5, window_bounds = array<i64: 1024, 128>}, {transform_indices = @transform_6, window_bounds = array<i64: 64, 2048>}]} {
    %get3A = arith.constant 0 : index
    %get3A_0 = arith.constant 0 : index
    %get3A_1 = vector.load %arg1[%get3A, %get3A_0] : memref<1024x64xf32, #tpu.memory_space<vmem>>, vector<1024x64xf32>
    %get3A_2 = arith.constant 0 : index
    %get3A_3 = arith.constant 0 : index
    %get3A_4 = vector.load %arg2[%get3A_2, %get3A_3] : memref<2048x64xf32, #tpu.memory_space<vmem>>, vector<2048x64xf32>
    %iota3A = tpu.iota {dimensions = array<i32: 1>} : vector<1024x2048xi32>
    %iota3A_5 = tpu.iota {dimensions = array<i32: 1>} : vector<1024x128xi32>
    %dot_general3A = arith.constant dense<0.000000e+00> : vector<1024x2048xf32>
    %dot_general3A_6 = tpu.matmul %get3A_1, %get3A_4, %dot_general3A {dimension_numbers = #tpu.dot_dimension_numbers<[1], [1], [0], [0], [0, 0, 1, 0], [], []>, transpose_lhs_hint = false} : vector<1024x64xf32>, vector<2048x64xf32>, vector<1024x2048xf32> -> vector<1024x2048xf32>
    %get3A_7 = arith.constant 0 : index
    %get3A_8 = arith.constant 0 : index
    %get3A_9 = vector.load %arg3[%get3A_7, %get3A_8] : memref<1024x1xf32, #tpu.memory_space<vmem>>, vector<1024x1xf32>
    %get3A_10 = arith.constant 0 : index
    %get3A_11 = arith.constant 0 : index
    %get3A_12 = vector.load %arg4[%get3A_10, %get3A_11] : memref<1x2048xf32, #tpu.memory_space<vmem>>, vector<1x2048xf32>
    %add3A = vector.broadcast %get3A_9 : vector<1024x1xf32> to vector<1024x2048xf32>
    %add3A_13 = vector.broadcast %get3A_12 : vector<1x2048xf32> to vector<1024x2048xf32>
    %add3A_14 = arith.addf %add3A, %add3A_13 : vector<1024x2048xf32>
    %mul3A = arith.constant 2.000000e+00 : f32
    %mul3A_15 = vector.broadcast %mul3A : f32 to vector<1024x2048xf32>
    %mul3A_16 = arith.mulf %mul3A_15, %dot_general3A_6 : vector<1024x2048xf32>
    %sub3A = arith.subf %add3A_14, %mul3A_16 : vector<1024x2048xf32>
    %slice3A = vector.extract_strided_slice %sub3A {offsets = [0, 0], sizes = [64, 2048], strides = [1, 1]} : vector<1024x2048xf32> to vector<64x2048xf32>
    %swap3A = arith.constant 0 : index
    %swap3A_17 = arith.constant 0 : index
    %swap3A_18 = vector.load %arg7[%swap3A, %swap3A_17] : memref<64x2048xf32, #tpu.memory_space<vmem>>, vector<64x2048xf32>
    tpu.vector_store %arg7[%swap3A, %swap3A_17], %slice3A {strides = array<i32>} : memref<64x2048xf32, #tpu.memory_space<vmem>>, vector<64x2048xf32>,
    %swap3A_19 = arith.constant 0 : index
    %swap3A_20 = arith.constant 0 : index
    %swap3A_21 = vector.load %arg8[%swap3A_19, %swap3A_20] : memref<1024x2048xf32, #tpu.memory_space<vmem>>, vector<1024x2048xf32>
    tpu.vector_store %arg8[%swap3A_19, %swap3A_20], %sub3A {strides = array<i32>} : memref<1024x2048xf32, #tpu.memory_space<vmem>>, vector<1024x2048xf32>,
    %eq3A = arith.constant 0 : i32
    %eq3A_22 = arith.cmpi eq, %arg0, %eq3A : i32
    %convert_element_type3A = arith.extui %eq3A_22 : i1 to i32
    %cond3A = arith.constant 0 : i32
    %cond3A_23 = arith.cmpi ne, %convert_element_type3A, %cond3A : i32
    scf.if %cond3A_23 {
      %broadcast_in_dim3A_412 = arith.constant 0x7F800000 : f32
      %broadcast_in_dim3A_413 = vector.broadcast %broadcast_in_dim3A_412 : f32 to vector<1024x128xf32>
      %swap3A_414 = arith.constant 0 : index
      %swap3A_415 = arith.constant 0 : index
      %swap3A_416 = vector.load %arg5[%swap3A_414, %swap3A_415] : memref<1024x128xf32, #tpu.memory_space<vmem>>, vector<1024x128xf32>
      tpu.vector_store %arg5[%swap3A_414, %swap3A_415], %broadcast_in_dim3A_413 {strides = array<i32>} : memref<1024x128xf32, #tpu.memory_space<vmem>>, vector<1024x128xf32>,
      %broadcast_in_dim3A_417 = arith.constant 0 : i32
      %broadcast_in_dim3A_418 = vector.broadcast %broadcast_in_dim3A_417 : i32 to vector<1024x128xi32>
      %swap3A_419 = arith.constant 0 : index
      %swap3A_420 = arith.constant 0 : index
      %swap3A_421 = vector.load %arg6[%swap3A_419, %swap3A_420] : memref<1024x128xi32, #tpu.memory_space<vmem>>, vector<1024x128xi32>
      tpu.vector_store %arg6[%swap3A_419, %swap3A_420], %broadcast_in_dim3A_418 {strides = array<i32>} : memref<1024x128xi32, #tpu.memory_space<vmem>>, vector<1024x128xi32>,
    } else {
    }
    %lt3A = arith.constant 5 : i32
    %lt3A_24 = vector.broadcast %lt3A : i32 to vector<1024x128xi32>
    %lt3A_25 = arith.cmpi slt, %iota3A_5, %lt3A_24 : vector<1024x128xi32>
    %get3A_26 = arith.constant 0 : index
    %get3A_27 = arith.constant 0 : index
    %get3A_28 = vector.load %arg5[%get3A_26, %get3A_27] : memref<1024x128xf32, #tpu.memory_space<vmem>>, vector<1024x128xf32>
    %jit3A = arith.constant 0x7F800000 : f32
    %broadcast_in_dim3A = vector.broadcast %jit3A : f32 to vector<1024x128xf32>
    %select_n3A = arith.select %lt3A_25, %get3A_28, %broadcast_in_dim3A : vector<1024x128xi1>, vector<1024x128xf32>
    %lt3A_29 = arith.constant 5 : i32
    %lt3A_30 = vector.broadcast %lt3A_29 : i32 to vector<1024x128xi32>
    %lt3A_31 = arith.cmpi slt, %iota3A_5, %lt3A_30 : vector<1024x128xi32>
    %get3A_32 = arith.constant 0 : index
    %get3A_33 = arith.constant 0 : index
    %get3A_34 = vector.load %arg6[%get3A_32, %get3A_33] : memref<1024x128xi32, #tpu.memory_space<vmem>>, vector<1024x128xi32>
    %jit3A_35 = arith.constant 0 : i32
    %broadcast_in_dim3A_36 = vector.broadcast %jit3A_35 : i32 to vector<1024x128xi32>
    %select_n3A_37 = arith.select %lt3A_31, %get3A_34, %broadcast_in_dim3A_36 : vector<1024x128xi1>, vector<1024x128xi32>
    %get3A_38 = arith.constant 0 : index
    %get3A_39 = arith.constant 0 : index
    %get3A_40 = vector.load %arg8[%get3A_38, %get3A_39] : memref<1024x2048xf32, #tpu.memory_space<vmem>>, vector<1024x2048xf32>
    %reduce_min3A = arith.constant dense<0x7F800000> : vector<1024xf32>
    %reduce_min3A_41 = vector.multi_reduction <minimumf>, %get3A_40, %reduce_min3A [1] : vector<1024x2048xf32> to vector<1024xf32>
    %broadcast_in_dim3A_42 = vector.shape_cast %reduce_min3A_41 : vector<1024xf32> to vector<1024x1xf32>
    %eq3A_43 = vector.broadcast %broadcast_in_dim3A_42 : vector<1024x1xf32> to vector<1024x2048xf32>
    %eq3A_44 = arith.cmpf oeq, %get3A_40, %eq3A_43 : vector<1024x2048xf32>
    %jit3A_45 = arith.constant 2048 : i32
    %broadcast_in_dim3A_46 = vector.broadcast %jit3A_45 : i32 to vector<1024x2048xi32>
    %select_n3A_47 = arith.select %eq3A_44, %iota3A, %broadcast_in_dim3A_46 : vector<1024x2048xi1>, vector<1024x2048xi32>
    %reduce_min3A_48 = arith.constant dense<2147483647> : vector<1024xi32>
    %reduce_min3A_49 = vector.multi_reduction <minsi>, %select_n3A_47, %reduce_min3A_48 [1] : vector<1024x2048xi32> to vector<1024xi32>
    %broadcast_in_dim3A_50 = vector.shape_cast %reduce_min3A_49 : vector<1024xi32> to vector<1024x1xi32>
    %eq3A_51 = vector.broadcast %broadcast_in_dim3A_50 : vector<1024x1xi32> to vector<1024x2048xi32>
    %eq3A_52 = arith.cmpi eq, %iota3A, %eq3A_51 : vector<1024x2048xi32>
    %jit3A_53 = arith.constant 0x7F800000 : f32
    %broadcast_in_dim3A_54 = vector.broadcast %jit3A_53 : f32 to vector<1024x2048xf32>
    %select_n3A_55 = arith.select %eq3A_52, %broadcast_in_dim3A_54, %get3A_40 : vector<1024x2048xi1>, vector<1024x2048xf32>
    %swap3A_56 = arith.constant 0 : index
    %swap3A_57 = arith.constant 0 : index
    %swap3A_58 = vector.load %arg8[%swap3A_56, %swap3A_57] : memref<1024x2048xf32, #tpu.memory_space<vmem>>, vector<1024x2048xf32>
    tpu.vector_store %arg8[%swap3A_56, %swap3A_57], %select_n3A_55 {strides = array<i32>} : memref<1024x2048xf32, #tpu.memory_space<vmem>>, vector<1024x2048xf32>,
    %eq3A_59 = arith.constant 5 : i32
    %eq3A_60 = vector.broadcast %eq3A_59 : i32 to vector<1024x128xi32>
    %eq3A_61 = arith.cmpi eq, %iota3A_5, %eq3A_60 : vector<1024x128xi32>
    %broadcast_in_dim3A_62 = vector.shape_cast %broadcast_in_dim3A_42 : vector<1024x1xf32> to vector<1024x1xf32>
    %broadcast_in_dim3A_63 = vector.broadcast %broadcast_in_dim3A_62 : vector<1024x1xf32> to vector<1024x128xf32>
    %select_n3A_64 = arith.select %eq3A_61, %broadcast_in_dim3A_63, %select_n3A : vector<1024x128xi1>, vector<1024x128xf32>
    %eq3A_65 = arith.constant 5 : i32
    %eq3A_66 = vector.broadcast %eq3A_65 : i32 to vector<1024x128xi32>
    %eq3A_67 = arith.cmpi eq, %iota3A_5, %eq3A_66 : vector<1024x128xi32>
    %mul3A_68 = arith.constant 2048 : i32
    %mul3A_69 = arith.muli %arg0, %mul3A_68 : i32
    %add3A_70 = vector.broadcast %mul3A_69 : i32 to vector<1024x1xi32>
    %add3A_71 = arith.addi %broadcast_in_dim3A_50, %add3A_70 : vector<1024x1xi32>
    %broadcast_in_dim3A_72 = vector.shape_cast %add3A_71 : vector<1024x1xi32> to vector<1024x1xi32>
    %broadcast_in_dim3A_73 = vector.broadcast %broadcast_in_dim3A_72 : vector<1024x1xi32> to vector<1024x128xi32>
    %select_n3A_74 = arith.select %eq3A_67, %broadcast_in_dim3A_73, %select_n3A_37 : vector<1024x128xi1>, vector<1024x128xi32>
    %get3A_75 = arith.constant 0 : index
    %get3A_76 = arith.constant 0 : index
    %get3A_77 = vector.load %arg8[%get3A_75, %get3A_76] : memref<1024x2048xf32, #tpu.memory_space<vmem>>, vector<1024x2048xf32>
    %reduce_min3A_78 = arith.constant dense<0x7F800000> : vector<1024xf32>
    %reduce_min3A_79 = vector.multi_reduction <minimumf>, %get3A_77, %reduce_min3A_78 [1] : vector<1024x2048xf32> to vector<1024xf32>
    %broadcast_in_dim3A_80 = vector.shape_cast %reduce_min3A_79 : vector<1024xf32> to vector<1024x1xf32>
    %eq3A_81 = vector.broadcast %broadcast_in_dim3A_80 : vector<1024x1xf32> to vector<1024x2048xf32>
    %eq3A_82 = arith.cmpf oeq, %get3A_77, %eq3A_81 : vector<1024x2048xf32>
    %jit3A_83 = arith.constant 2048 : i32
    %broadcast_in_dim3A_84 = vector.broadcast %jit3A_83 : i32 to vector<1024x2048xi32>
    %select_n3A_85 = arith.select %eq3A_82, %iota3A, %broadcast_in_dim3A_84 : vector<1024x2048xi1>, vector<1024x2048xi32>
    %reduce_min3A_86 = arith.constant dense<2147483647> : vector<1024xi32>
    %reduce_min3A_87 = vector.multi_reduction <minsi>, %select_n3A_85, %reduce_min3A_86 [1] : vector<1024x2048xi32> to vector<1024xi32>
    %broadcast_in_dim3A_88 = vector.shape_cast %reduce_min3A_87 : vector<1024xi32> to vector<1024x1xi32>
    %eq3A_89 = vector.broadcast %broadcast_in_dim3A_88 : vector<1024x1xi32> to vector<1024x2048xi32>
    %eq3A_90 = arith.cmpi eq, %iota3A, %eq3A_89 : vector<1024x2048xi32>
    %jit3A_91 = arith.constant 0x7F800000 : f32
    %broadcast_in_dim3A_92 = vector.broadcast %jit3A_91 : f32 to vector<1024x2048xf32>
    %select_n3A_93 = arith.select %eq3A_90, %broadcast_in_dim3A_92, %get3A_77 : vector<1024x2048xi1>, vector<1024x2048xf32>
    %swap3A_94 = arith.constant 0 : index
    %swap3A_95 = arith.constant 0 : index
    %swap3A_96 = vector.load %arg8[%swap3A_94, %swap3A_95] : memref<1024x2048xf32, #tpu.memory_space<vmem>>, vector<1024x2048xf32>
    tpu.vector_store %arg8[%swap3A_94, %swap3A_95], %select_n3A_93 {strides = array<i32>} : memref<1024x2048xf32, #tpu.memory_space<vmem>>, vector<1024x2048xf32>,
    %eq3A_97 = arith.constant 6 : i32
    %eq3A_98 = vector.broadcast %eq3A_97 : i32 to vector<1024x128xi32>
    %eq3A_99 = arith.cmpi eq, %iota3A_5, %eq3A_98 : vector<1024x128xi32>
    %broadcast_in_dim3A_100 = vector.shape_cast %broadcast_in_dim3A_80 : vector<1024x1xf32> to vector<1024x1xf32>
    %broadcast_in_dim3A_101 = vector.broadcast %broadcast_in_dim3A_100 : vector<1024x1xf32> to vector<1024x128xf32>
    %select_n3A_102 = arith.select %eq3A_99, %broadcast_in_dim3A_101, %select_n3A_64 : vector<1024x128xi1>, vector<1024x128xf32>
    %eq3A_103 = arith.constant 6 : i32
    %eq3A_104 = vector.broadcast %eq3A_103 : i32 to vector<1024x128xi32>
    %eq3A_105 = arith.cmpi eq, %iota3A_5, %eq3A_104 : vector<1024x128xi32>
    %mul3A_106 = arith.constant 2048 : i32
    %mul3A_107 = arith.muli %arg0, %mul3A_106 : i32
    %add3A_108 = vector.broadcast %mul3A_107 : i32 to vector<1024x1xi32>
    %add3A_109 = arith.addi %broadcast_in_dim3A_88, %add3A_108 : vector<1024x1xi32>
    %broadcast_in_dim3A_110 = vector.shape_cast %add3A_109 : vector<1024x1xi32> to vector<1024x1xi32>
    %broadcast_in_dim3A_111 = vector.broadcast %broadcast_in_dim3A_110 : vector<1024x1xi32> to vector<1024x128xi32>
    %select_n3A_112 = arith.select %eq3A_105, %broadcast_in_dim3A_111, %select_n3A_74 : vector<1024x128xi1>, vector<1024x128xi32>
    %get3A_113 = arith.constant 0 : index
    %get3A_114 = arith.constant 0 : index
    %get3A_115 = vector.load %arg8[%get3A_113, %get3A_114] : memref<1024x2048xf32, #tpu.memory_space<vmem>>, vector<1024x2048xf32>
    %reduce_min3A_116 = arith.constant dense<0x7F800000> : vector<1024xf32>
    %reduce_min3A_117 = vector.multi_reduction <minimumf>, %get3A_115, %reduce_min3A_116 [1] : vector<1024x2048xf32> to vector<1024xf32>
    %broadcast_in_dim3A_118 = vector.shape_cast %reduce_min3A_117 : vector<1024xf32> to vector<1024x1xf32>
    %eq3A_119 = vector.broadcast %broadcast_in_dim3A_118 : vector<1024x1xf32> to vector<1024x2048xf32>
    %eq3A_120 = arith.cmpf oeq, %get3A_115, %eq3A_119 : vector<1024x2048xf32>
    %jit3A_121 = arith.constant 2048 : i32
    %broadcast_in_dim3A_122 = vector.broadcast %jit3A_121 : i32 to vector<1024x2048xi32>
    %select_n3A_123 = arith.select %eq3A_120, %iota3A, %broadcast_in_dim3A_122 : vector<1024x2048xi1>, vector<1024x2048xi32>
    %reduce_min3A_124 = arith.constant dense<2147483647> : vector<1024xi32>
    %reduce_min3A_125 = vector.multi_reduction <minsi>, %select_n3A_123, %reduce_min3A_124 [1] : vector<1024x2048xi32> to vector<1024xi32>
    %broadcast_in_dim3A_126 = vector.shape_cast %reduce_min3A_125 : vector<1024xi32> to vector<1024x1xi32>
    %eq3A_127 = vector.broadcast %broadcast_in_dim3A_126 : vector<1024x1xi32> to vector<1024x2048xi32>
    %eq3A_128 = arith.cmpi eq, %iota3A, %eq3A_127 : vector<1024x2048xi32>
    %jit3A_129 = arith.constant 0x7F800000 : f32
    %broadcast_in_dim3A_130 = vector.broadcast %jit3A_129 : f32 to vector<1024x2048xf32>
    %select_n3A_131 = arith.select %eq3A_128, %broadcast_in_dim3A_130, %get3A_115 : vector<1024x2048xi1>, vector<1024x2048xf32>
    %swap3A_132 = arith.constant 0 : index
    %swap3A_133 = arith.constant 0 : index
    %swap3A_134 = vector.load %arg8[%swap3A_132, %swap3A_133] : memref<1024x2048xf32, #tpu.memory_space<vmem>>, vector<1024x2048xf32>
    tpu.vector_store %arg8[%swap3A_132, %swap3A_133], %select_n3A_131 {strides = array<i32>} : memref<1024x2048xf32, #tpu.memory_space<vmem>>, vector<1024x2048xf32>,
    %eq3A_135 = arith.constant 7 : i32
    %eq3A_136 = vector.broadcast %eq3A_135 : i32 to vector<1024x128xi32>
    %eq3A_137 = arith.cmpi eq, %iota3A_5, %eq3A_136 : vector<1024x128xi32>
    %broadcast_in_dim3A_138 = vector.shape_cast %broadcast_in_dim3A_118 : vector<1024x1xf32> to vector<1024x1xf32>
    %broadcast_in_dim3A_139 = vector.broadcast %broadcast_in_dim3A_138 : vector<1024x1xf32> to vector<1024x128xf32>
    %select_n3A_140 = arith.select %eq3A_137, %broadcast_in_dim3A_139, %select_n3A_102 : vector<1024x128xi1>, vector<1024x128xf32>
    %eq3A_141 = arith.constant 7 : i32
    %eq3A_142 = vector.broadcast %eq3A_141 : i32 to vector<1024x128xi32>
    %eq3A_143 = arith.cmpi eq, %iota3A_5, %eq3A_142 : vector<1024x128xi32>
    %mul3A_144 = arith.constant 2048 : i32
    %mul3A_145 = arith.muli %arg0, %mul3A_144 : i32
    %add3A_146 = vector.broadcast %mul3A_145 : i32 to vector<1024x1xi32>
    %add3A_147 = arith.addi %broadcast_in_dim3A_126, %add3A_146 : vector<1024x1xi32>
    %broadcast_in_dim3A_148 = vector.shape_cast %add3A_147 : vector<1024x1xi32> to vector<1024x1xi32>
    %broadcast_in_dim3A_149 = vector.broadcast %broadcast_in_dim3A_148 : vector<1024x1xi32> to vector<1024x128xi32>
    %select_n3A_150 = arith.select %eq3A_143, %broadcast_in_dim3A_149, %select_n3A_112 : vector<1024x128xi1>, vector<1024x128xi32>
    %get3A_151 = arith.constant 0 : index
    %get3A_152 = arith.constant 0 : index
    %get3A_153 = vector.load %arg8[%get3A_151, %get3A_152] : memref<1024x2048xf32, #tpu.memory_space<vmem>>, vector<1024x2048xf32>
    %reduce_min3A_154 = arith.constant dense<0x7F800000> : vector<1024xf32>
    %reduce_min3A_155 = vector.multi_reduction <minimumf>, %get3A_153, %reduce_min3A_154 [1] : vector<1024x2048xf32> to vector<1024xf32>
    %broadcast_in_dim3A_156 = vector.shape_cast %reduce_min3A_155 : vector<1024xf32> to vector<1024x1xf32>
    %eq3A_157 = vector.broadcast %broadcast_in_dim3A_156 : vector<1024x1xf32> to vector<1024x2048xf32>
    %eq3A_158 = arith.cmpf oeq, %get3A_153, %eq3A_157 : vector<1024x2048xf32>
    %jit3A_159 = arith.constant 2048 : i32
    %broadcast_in_dim3A_160 = vector.broadcast %jit3A_159 : i32 to vector<1024x2048xi32>
    %select_n3A_161 = arith.select %eq3A_158, %iota3A, %broadcast_in_dim3A_160 : vector<1024x2048xi1>, vector<1024x2048xi32>
    %reduce_min3A_162 = arith.constant dense<2147483647> : vector<1024xi32>
    %reduce_min3A_163 = vector.multi_reduction <minsi>, %select_n3A_161, %reduce_min3A_162 [1] : vector<1024x2048xi32> to vector<1024xi32>
    %broadcast_in_dim3A_164 = vector.shape_cast %reduce_min3A_163 : vector<1024xi32> to vector<1024x1xi32>
    %eq3A_165 = vector.broadcast %broadcast_in_dim3A_164 : vector<1024x1xi32> to vector<1024x2048xi32>
    %eq3A_166 = arith.cmpi eq, %iota3A, %eq3A_165 : vector<1024x2048xi32>
    %jit3A_167 = arith.constant 0x7F800000 : f32
    %broadcast_in_dim3A_168 = vector.broadcast %jit3A_167 : f32 to vector<1024x2048xf32>
    %select_n3A_169 = arith.select %eq3A_166, %broadcast_in_dim3A_168, %get3A_153 : vector<1024x2048xi1>, vector<1024x2048xf32>
    %swap3A_170 = arith.constant 0 : index
    %swap3A_171 = arith.constant 0 : index
    %swap3A_172 = vector.load %arg8[%swap3A_170, %swap3A_171] : memref<1024x2048xf32, #tpu.memory_space<vmem>>, vector<1024x2048xf32>
    tpu.vector_store %arg8[%swap3A_170, %swap3A_171], %select_n3A_169 {strides = array<i32>} : memref<1024x2048xf32, #tpu.memory_space<vmem>>, vector<1024x2048xf32>,
    %eq3A_173 = arith.constant 8 : i32
    %eq3A_174 = vector.broadcast %eq3A_173 : i32 to vector<1024x128xi32>
    %eq3A_175 = arith.cmpi eq, %iota3A_5, %eq3A_174 : vector<1024x128xi32>
    %broadcast_in_dim3A_176 = vector.shape_cast %broadcast_in_dim3A_156 : vector<1024x1xf32> to vector<1024x1xf32>
    %broadcast_in_dim3A_177 = vector.broadcast %broadcast_in_dim3A_176 : vector<1024x1xf32> to vector<1024x128xf32>
    %select_n3A_178 = arith.select %eq3A_175, %broadcast_in_dim3A_177, %select_n3A_140 : vector<1024x128xi1>, vector<1024x128xf32>
    %eq3A_179 = arith.constant 8 : i32
    %eq3A_180 = vector.broadcast %eq3A_179 : i32 to vector<1024x128xi32>
    %eq3A_181 = arith.cmpi eq, %iota3A_5, %eq3A_180 : vector<1024x128xi32>
    %mul3A_182 = arith.constant 2048 : i32
    %mul3A_183 = arith.muli %arg0, %mul3A_182 : i32
    %add3A_184 = vector.broadcast %mul3A_183 : i32 to vector<1024x1xi32>
    %add3A_185 = arith.addi %broadcast_in_dim3A_164, %add3A_184 : vector<1024x1xi32>
    %broadcast_in_dim3A_186 = vector.shape_cast %add3A_185 : vector<1024x1xi32> to vector<1024x1xi32>
    %broadcast_in_dim3A_187 = vector.broadcast %broadcast_in_dim3A_186 : vector<1024x1xi32> to vector<1024x128xi32>
    %select_n3A_188 = arith.select %eq3A_181, %broadcast_in_dim3A_187, %select_n3A_150 : vector<1024x128xi1>, vector<1024x128xi32>
    %get3A_189 = arith.constant 0 : index
    %get3A_190 = arith.constant 0 : index
    %get3A_191 = vector.load %arg8[%get3A_189, %get3A_190] : memref<1024x2048xf32, #tpu.memory_space<vmem>>, vector<1024x2048xf32>
    %reduce_min3A_192 = arith.constant dense<0x7F800000> : vector<1024xf32>
    %reduce_min3A_193 = vector.multi_reduction <minimumf>, %get3A_191, %reduce_min3A_192 [1] : vector<1024x2048xf32> to vector<1024xf32>
    %broadcast_in_dim3A_194 = vector.shape_cast %reduce_min3A_193 : vector<1024xf32> to vector<1024x1xf32>
    %eq3A_195 = vector.broadcast %broadcast_in_dim3A_194 : vector<1024x1xf32> to vector<1024x2048xf32>
    %eq3A_196 = arith.cmpf oeq, %get3A_191, %eq3A_195 : vector<1024x2048xf32>
    %jit3A_197 = arith.constant 2048 : i32
    %broadcast_in_dim3A_198 = vector.broadcast %jit3A_197 : i32 to vector<1024x2048xi32>
    %select_n3A_199 = arith.select %eq3A_196, %iota3A, %broadcast_in_dim3A_198 : vector<1024x2048xi1>, vector<1024x2048xi32>
    %reduce_min3A_200 = arith.constant dense<2147483647> : vector<1024xi32>
    %reduce_min3A_201 = vector.multi_reduction <minsi>, %select_n3A_199, %reduce_min3A_200 [1] : vector<1024x2048xi32> to vector<1024xi32>
    %broadcast_in_dim3A_202 = vector.shape_cast %reduce_min3A_201 : vector<1024xi32> to vector<1024x1xi32>
    %eq3A_203 = vector.broadcast %broadcast_in_dim3A_202 : vector<1024x1xi32> to vector<1024x2048xi32>
    %eq3A_204 = arith.cmpi eq, %iota3A, %eq3A_203 : vector<1024x2048xi32>
    %jit3A_205 = arith.constant 0x7F800000 : f32
    %broadcast_in_dim3A_206 = vector.broadcast %jit3A_205 : f32 to vector<1024x2048xf32>
    %select_n3A_207 = arith.select %eq3A_204, %broadcast_in_dim3A_206, %get3A_191 : vector<1024x2048xi1>, vector<1024x2048xf32>
    %swap3A_208 = arith.constant 0 : index
    %swap3A_209 = arith.constant 0 : index
    %swap3A_210 = vector.load %arg8[%swap3A_208, %swap3A_209] : memref<1024x2048xf32, #tpu.memory_space<vmem>>, vector<1024x2048xf32>
    tpu.vector_store %arg8[%swap3A_208, %swap3A_209], %select_n3A_207 {strides = array<i32>} : memref<1024x2048xf32, #tpu.memory_space<vmem>>, vector<1024x2048xf32>,
    %eq3A_211 = arith.constant 9 : i32
    %eq3A_212 = vector.broadcast %eq3A_211 : i32 to vector<1024x128xi32>
    %eq3A_213 = arith.cmpi eq, %iota3A_5, %eq3A_212 : vector<1024x128xi32>
    %broadcast_in_dim3A_214 = vector.shape_cast %broadcast_in_dim3A_194 : vector<1024x1xf32> to vector<1024x1xf32>
    %broadcast_in_dim3A_215 = vector.broadcast %broadcast_in_dim3A_214 : vector<1024x1xf32> to vector<1024x128xf32>
    %select_n3A_216 = arith.select %eq3A_213, %broadcast_in_dim3A_215, %select_n3A_178 : vector<1024x128xi1>, vector<1024x128xf32>
    %eq3A_217 = arith.constant 9 : i32
    %eq3A_218 = vector.broadcast %eq3A_217 : i32 to vector<1024x128xi32>
    %eq3A_219 = arith.cmpi eq, %iota3A_5, %eq3A_218 : vector<1024x128xi32>
    %mul3A_220 = arith.constant 2048 : i32
    %mul3A_221 = arith.muli %arg0, %mul3A_220 : i32
    %add3A_222 = vector.broadcast %mul3A_221 : i32 to vector<1024x1xi32>
    %add3A_223 = arith.addi %broadcast_in_dim3A_202, %add3A_222 : vector<1024x1xi32>
    %broadcast_in_dim3A_224 = vector.shape_cast %add3A_223 : vector<1024x1xi32> to vector<1024x1xi32>
    %broadcast_in_dim3A_225 = vector.broadcast %broadcast_in_dim3A_224 : vector<1024x1xi32> to vector<1024x128xi32>
    %select_n3A_226 = arith.select %eq3A_219, %broadcast_in_dim3A_225, %select_n3A_188 : vector<1024x128xi1>, vector<1024x128xi32>
    %broadcast_in_dim3A_227 = arith.constant 0x7F800000 : f32
    %broadcast_in_dim3A_228 = vector.broadcast %broadcast_in_dim3A_227 : f32 to vector<1024x128xf32>
    %broadcast_in_dim3A_229 = arith.constant 0 : i32
    %broadcast_in_dim3A_230 = vector.broadcast %broadcast_in_dim3A_229 : i32 to vector<1024x128xi32>
    %reduce_min3A_231 = arith.constant dense<0x7F800000> : vector<1024xf32>
    %reduce_min3A_232 = vector.multi_reduction <minimumf>, %select_n3A_216, %reduce_min3A_231 [1] : vector<1024x128xf32> to vector<1024xf32>
    %broadcast_in_dim3A_233 = vector.shape_cast %reduce_min3A_232 : vector<1024xf32> to vector<1024x1xf32>
    %eq3A_234 = vector.broadcast %broadcast_in_dim3A_233 : vector<1024x1xf32> to vector<1024x128xf32>
    %eq3A_235 = arith.cmpf oeq, %select_n3A_216, %eq3A_234 : vector<1024x128xf32>
    %jit3A_236 = arith.constant 128 : i32
    %broadcast_in_dim3A_237 = vector.broadcast %jit3A_236 : i32 to vector<1024x128xi32>
    %select_n3A_238 = arith.select %eq3A_235, %iota3A_5, %broadcast_in_dim3A_237 : vector<1024x128xi1>, vector<1024x128xi32>
    %reduce_min3A_239 = arith.constant dense<2147483647> : vector<1024xi32>
    %reduce_min3A_240 = vector.multi_reduction <minsi>, %select_n3A_238, %reduce_min3A_239 [1] : vector<1024x128xi32> to vector<1024xi32>
    %broadcast_in_dim3A_241 = vector.shape_cast %reduce_min3A_240 : vector<1024xi32> to vector<1024x1xi32>
    %eq3A_242 = vector.broadcast %broadcast_in_dim3A_241 : vector<1024x1xi32> to vector<1024x128xi32>
    %eq3A_243 = arith.cmpi eq, %iota3A_5, %eq3A_242 : vector<1024x128xi32>
    %jit3A_244 = arith.constant 1073741824 : i32
    %broadcast_in_dim3A_245 = vector.broadcast %jit3A_244 : i32 to vector<1024x128xi32>
    %select_n3A_246 = arith.select %eq3A_243, %select_n3A_226, %broadcast_in_dim3A_245 : vector<1024x128xi1>, vector<1024x128xi32>
    %reduce_min3A_247 = arith.constant dense<2147483647> : vector<1024xi32>
    %reduce_min3A_248 = vector.multi_reduction <minsi>, %select_n3A_246, %reduce_min3A_247 [1] : vector<1024x128xi32> to vector<1024xi32>
    %broadcast_in_dim3A_249 = vector.shape_cast %reduce_min3A_248 : vector<1024xi32> to vector<1024x1xi32>
    %eq3A_250 = vector.broadcast %broadcast_in_dim3A_241 : vector<1024x1xi32> to vector<1024x128xi32>
    %eq3A_251 = arith.cmpi eq, %iota3A_5, %eq3A_250 : vector<1024x128xi32>
    %jit3A_252 = arith.constant 0x7F800000 : f32
    %broadcast_in_dim3A_253 = vector.broadcast %jit3A_252 : f32 to vector<1024x128xf32>
    %select_n3A_254 = arith.select %eq3A_251, %broadcast_in_dim3A_253, %select_n3A_216 : vector<1024x128xi1>, vector<1024x128xf32>
    %eq3A_255 = arith.constant 0 : i32
    %eq3A_256 = vector.broadcast %eq3A_255 : i32 to vector<1024x128xi32>
    %eq3A_257 = arith.cmpi eq, %iota3A_5, %eq3A_256 : vector<1024x128xi32>
    %broadcast_in_dim3A_258 = vector.shape_cast %broadcast_in_dim3A_233 : vector<1024x1xf32> to vector<1024x1xf32>
    %broadcast_in_dim3A_259 = vector.broadcast %broadcast_in_dim3A_258 : vector<1024x1xf32> to vector<1024x128xf32>
    %select_n3A_260 = arith.select %eq3A_257, %broadcast_in_dim3A_259, %broadcast_in_dim3A_228 : vector<1024x128xi1>, vector<1024x128xf32>
    %eq3A_261 = arith.constant 0 : i32
    %eq3A_262 = vector.broadcast %eq3A_261 : i32 to vector<1024x128xi32>
    %eq3A_263 = arith.cmpi eq, %iota3A_5, %eq3A_262 : vector<1024x128xi32>
    %broadcast_in_dim3A_264 = vector.shape_cast %broadcast_in_dim3A_249 : vector<1024x1xi32> to vector<1024x1xi32>
    %broadcast_in_dim3A_265 = vector.broadcast %broadcast_in_dim3A_264 : vector<1024x1xi32> to vector<1024x128xi32>
    %select_n3A_266 = arith.select %eq3A_263, %broadcast_in_dim3A_265, %broadcast_in_dim3A_230 : vector<1024x128xi1>, vector<1024x128xi32>
    %reduce_min3A_267 = arith.constant dense<0x7F800000> : vector<1024xf32>
    %reduce_min3A_268 = vector.multi_reduction <minimumf>, %select_n3A_254, %reduce_min3A_267 [1] : vector<1024x128xf32> to vector<1024xf32>
    %broadcast_in_dim3A_269 = vector.shape_cast %reduce_min3A_268 : vector<1024xf32> to vector<1024x1xf32>
    %eq3A_270 = vector.broadcast %broadcast_in_dim3A_269 : vector<1024x1xf32> to vector<1024x128xf32>
    %eq3A_271 = arith.cmpf oeq, %select_n3A_254, %eq3A_270 : vector<1024x128xf32>
    %jit3A_272 = arith.constant 128 : i32
    %broadcast_in_dim3A_273 = vector.broadcast %jit3A_272 : i32 to vector<1024x128xi32>
    %select_n3A_274 = arith.select %eq3A_271, %iota3A_5, %broadcast_in_dim3A_273 : vector<1024x128xi1>, vector<1024x128xi32>
    %reduce_min3A_275 = arith.constant dense<2147483647> : vector<1024xi32>
    %reduce_min3A_276 = vector.multi_reduction <minsi>, %select_n3A_274, %reduce_min3A_275 [1] : vector<1024x128xi32> to vector<1024xi32>
    %broadcast_in_dim3A_277 = vector.shape_cast %reduce_min3A_276 : vector<1024xi32> to vector<1024x1xi32>
    %eq3A_278 = vector.broadcast %broadcast_in_dim3A_277 : vector<1024x1xi32> to vector<1024x128xi32>
    %eq3A_279 = arith.cmpi eq, %iota3A_5, %eq3A_278 : vector<1024x128xi32>
    %jit3A_280 = arith.constant 1073741824 : i32
    %broadcast_in_dim3A_281 = vector.broadcast %jit3A_280 : i32 to vector<1024x128xi32>
    %select_n3A_282 = arith.select %eq3A_279, %select_n3A_226, %broadcast_in_dim3A_281 : vector<1024x128xi1>, vector<1024x128xi32>
    %reduce_min3A_283 = arith.constant dense<2147483647> : vector<1024xi32>
    %reduce_min3A_284 = vector.multi_reduction <minsi>, %select_n3A_282, %reduce_min3A_283 [1] : vector<1024x128xi32> to vector<1024xi32>
    %broadcast_in_dim3A_285 = vector.shape_cast %reduce_min3A_284 : vector<1024xi32> to vector<1024x1xi32>
    %eq3A_286 = vector.broadcast %broadcast_in_dim3A_277 : vector<1024x1xi32> to vector<1024x128xi32>
    %eq3A_287 = arith.cmpi eq, %iota3A_5, %eq3A_286 : vector<1024x128xi32>
    %jit3A_288 = arith.constant 0x7F800000 : f32
    %broadcast_in_dim3A_289 = vector.broadcast %jit3A_288 : f32 to vector<1024x128xf32>
    %select_n3A_290 = arith.select %eq3A_287, %broadcast_in_dim3A_289, %select_n3A_254 : vector<1024x128xi1>, vector<1024x128xf32>
    %eq3A_291 = arith.constant 1 : i32
    %eq3A_292 = vector.broadcast %eq3A_291 : i32 to vector<1024x128xi32>
    %eq3A_293 = arith.cmpi eq, %iota3A_5, %eq3A_292 : vector<1024x128xi32>
    %broadcast_in_dim3A_294 = vector.shape_cast %broadcast_in_dim3A_269 : vector<1024x1xf32> to vector<1024x1xf32>
    %broadcast_in_dim3A_295 = vector.broadcast %broadcast_in_dim3A_294 : vector<1024x1xf32> to vector<1024x128xf32>
    %select_n3A_296 = arith.select %eq3A_293, %broadcast_in_dim3A_295, %select_n3A_260 : vector<1024x128xi1>, vector<1024x128xf32>
    %eq3A_297 = arith.constant 1 : i32
    %eq3A_298 = vector.broadcast %eq3A_297 : i32 to vector<1024x128xi32>
    %eq3A_299 = arith.cmpi eq, %iota3A_5, %eq3A_298 : vector<1024x128xi32>
    %broadcast_in_dim3A_300 = vector.shape_cast %broadcast_in_dim3A_285 : vector<1024x1xi32> to vector<1024x1xi32>
    %broadcast_in_dim3A_301 = vector.broadcast %broadcast_in_dim3A_300 : vector<1024x1xi32> to vector<1024x128xi32>
    %select_n3A_302 = arith.select %eq3A_299, %broadcast_in_dim3A_301, %select_n3A_266 : vector<1024x128xi1>, vector<1024x128xi32>
    %reduce_min3A_303 = arith.constant dense<0x7F800000> : vector<1024xf32>
    %reduce_min3A_304 = vector.multi_reduction <minimumf>, %select_n3A_290, %reduce_min3A_303 [1] : vector<1024x128xf32> to vector<1024xf32>
    %broadcast_in_dim3A_305 = vector.shape_cast %reduce_min3A_304 : vector<1024xf32> to vector<1024x1xf32>
    %eq3A_306 = vector.broadcast %broadcast_in_dim3A_305 : vector<1024x1xf32> to vector<1024x128xf32>
    %eq3A_307 = arith.cmpf oeq, %select_n3A_290, %eq3A_306 : vector<1024x128xf32>
    %jit3A_308 = arith.constant 128 : i32
    %broadcast_in_dim3A_309 = vector.broadcast %jit3A_308 : i32 to vector<1024x128xi32>
    %select_n3A_310 = arith.select %eq3A_307, %iota3A_5, %broadcast_in_dim3A_309 : vector<1024x128xi1>, vector<1024x128xi32>
    %reduce_min3A_311 = arith.constant dense<2147483647> : vector<1024xi32>
    %reduce_min3A_312 = vector.multi_reduction <minsi>, %select_n3A_310, %reduce_min3A_311 [1] : vector<1024x128xi32> to vector<1024xi32>
    %broadcast_in_dim3A_313 = vector.shape_cast %reduce_min3A_312 : vector<1024xi32> to vector<1024x1xi32>
    %eq3A_314 = vector.broadcast %broadcast_in_dim3A_313 : vector<1024x1xi32> to vector<1024x128xi32>
    %eq3A_315 = arith.cmpi eq, %iota3A_5, %eq3A_314 : vector<1024x128xi32>
    %jit3A_316 = arith.constant 1073741824 : i32
    %broadcast_in_dim3A_317 = vector.broadcast %jit3A_316 : i32 to vector<1024x128xi32>
    %select_n3A_318 = arith.select %eq3A_315, %select_n3A_226, %broadcast_in_dim3A_317 : vector<1024x128xi1>, vector<1024x128xi32>
    %reduce_min3A_319 = arith.constant dense<2147483647> : vector<1024xi32>
    %reduce_min3A_320 = vector.multi_reduction <minsi>, %select_n3A_318, %reduce_min3A_319 [1] : vector<1024x128xi32> to vector<1024xi32>
    %broadcast_in_dim3A_321 = vector.shape_cast %reduce_min3A_320 : vector<1024xi32> to vector<1024x1xi32>
    %eq3A_322 = vector.broadcast %broadcast_in_dim3A_313 : vector<1024x1xi32> to vector<1024x128xi32>
    %eq3A_323 = arith.cmpi eq, %iota3A_5, %eq3A_322 : vector<1024x128xi32>
    %jit3A_324 = arith.constant 0x7F800000 : f32
    %broadcast_in_dim3A_325 = vector.broadcast %jit3A_324 : f32 to vector<1024x128xf32>
    %select_n3A_326 = arith.select %eq3A_323, %broadcast_in_dim3A_325, %select_n3A_290 : vector<1024x128xi1>, vector<1024x128xf32>
    %eq3A_327 = arith.constant 2 : i32
    %eq3A_328 = vector.broadcast %eq3A_327 : i32 to vector<1024x128xi32>
    %eq3A_329 = arith.cmpi eq, %iota3A_5, %eq3A_328 : vector<1024x128xi32>
    %broadcast_in_dim3A_330 = vector.shape_cast %broadcast_in_dim3A_305 : vector<1024x1xf32> to vector<1024x1xf32>
    %broadcast_in_dim3A_331 = vector.broadcast %broadcast_in_dim3A_330 : vector<1024x1xf32> to vector<1024x128xf32>
    %select_n3A_332 = arith.select %eq3A_329, %broadcast_in_dim3A_331, %select_n3A_296 : vector<1024x128xi1>, vector<1024x128xf32>
    %eq3A_333 = arith.constant 2 : i32
    %eq3A_334 = vector.broadcast %eq3A_333 : i32 to vector<1024x128xi32>
    %eq3A_335 = arith.cmpi eq, %iota3A_5, %eq3A_334 : vector<1024x128xi32>
    %broadcast_in_dim3A_336 = vector.shape_cast %broadcast_in_dim3A_321 : vector<1024x1xi32> to vector<1024x1xi32>
    %broadcast_in_dim3A_337 = vector.broadcast %broadcast_in_dim3A_336 : vector<1024x1xi32> to vector<1024x128xi32>
    %select_n3A_338 = arith.select %eq3A_335, %broadcast_in_dim3A_337, %select_n3A_302 : vector<1024x128xi1>, vector<1024x128xi32>
    %reduce_min3A_339 = arith.constant dense<0x7F800000> : vector<1024xf32>
    %reduce_min3A_340 = vector.multi_reduction <minimumf>, %select_n3A_326, %reduce_min3A_339 [1] : vector<1024x128xf32> to vector<1024xf32>
    %broadcast_in_dim3A_341 = vector.shape_cast %reduce_min3A_340 : vector<1024xf32> to vector<1024x1xf32>
    %eq3A_342 = vector.broadcast %broadcast_in_dim3A_341 : vector<1024x1xf32> to vector<1024x128xf32>
    %eq3A_343 = arith.cmpf oeq, %select_n3A_326, %eq3A_342 : vector<1024x128xf32>
    %jit3A_344 = arith.constant 128 : i32
    %broadcast_in_dim3A_345 = vector.broadcast %jit3A_344 : i32 to vector<1024x128xi32>
    %select_n3A_346 = arith.select %eq3A_343, %iota3A_5, %broadcast_in_dim3A_345 : vector<1024x128xi1>, vector<1024x128xi32>
    %reduce_min3A_347 = arith.constant dense<2147483647> : vector<1024xi32>
    %reduce_min3A_348 = vector.multi_reduction <minsi>, %select_n3A_346, %reduce_min3A_347 [1] : vector<1024x128xi32> to vector<1024xi32>
    %broadcast_in_dim3A_349 = vector.shape_cast %reduce_min3A_348 : vector<1024xi32> to vector<1024x1xi32>
    %eq3A_350 = vector.broadcast %broadcast_in_dim3A_349 : vector<1024x1xi32> to vector<1024x128xi32>
    %eq3A_351 = arith.cmpi eq, %iota3A_5, %eq3A_350 : vector<1024x128xi32>
    %jit3A_352 = arith.constant 1073741824 : i32
    %broadcast_in_dim3A_353 = vector.broadcast %jit3A_352 : i32 to vector<1024x128xi32>
    %select_n3A_354 = arith.select %eq3A_351, %select_n3A_226, %broadcast_in_dim3A_353 : vector<1024x128xi1>, vector<1024x128xi32>
    %reduce_min3A_355 = arith.constant dense<2147483647> : vector<1024xi32>
    %reduce_min3A_356 = vector.multi_reduction <minsi>, %select_n3A_354, %reduce_min3A_355 [1] : vector<1024x128xi32> to vector<1024xi32>
    %broadcast_in_dim3A_357 = vector.shape_cast %reduce_min3A_356 : vector<1024xi32> to vector<1024x1xi32>
    %eq3A_358 = vector.broadcast %broadcast_in_dim3A_349 : vector<1024x1xi32> to vector<1024x128xi32>
    %eq3A_359 = arith.cmpi eq, %iota3A_5, %eq3A_358 : vector<1024x128xi32>
    %jit3A_360 = arith.constant 0x7F800000 : f32
    %broadcast_in_dim3A_361 = vector.broadcast %jit3A_360 : f32 to vector<1024x128xf32>
    %select_n3A_362 = arith.select %eq3A_359, %broadcast_in_dim3A_361, %select_n3A_326 : vector<1024x128xi1>, vector<1024x128xf32>
    %eq3A_363 = arith.constant 3 : i32
    %eq3A_364 = vector.broadcast %eq3A_363 : i32 to vector<1024x128xi32>
    %eq3A_365 = arith.cmpi eq, %iota3A_5, %eq3A_364 : vector<1024x128xi32>
    %broadcast_in_dim3A_366 = vector.shape_cast %broadcast_in_dim3A_341 : vector<1024x1xf32> to vector<1024x1xf32>
    %broadcast_in_dim3A_367 = vector.broadcast %broadcast_in_dim3A_366 : vector<1024x1xf32> to vector<1024x128xf32>
    %select_n3A_368 = arith.select %eq3A_365, %broadcast_in_dim3A_367, %select_n3A_332 : vector<1024x128xi1>, vector<1024x128xf32>
    %eq3A_369 = arith.constant 3 : i32
    %eq3A_370 = vector.broadcast %eq3A_369 : i32 to vector<1024x128xi32>
    %eq3A_371 = arith.cmpi eq, %iota3A_5, %eq3A_370 : vector<1024x128xi32>
    %broadcast_in_dim3A_372 = vector.shape_cast %broadcast_in_dim3A_357 : vector<1024x1xi32> to vector<1024x1xi32>
    %broadcast_in_dim3A_373 = vector.broadcast %broadcast_in_dim3A_372 : vector<1024x1xi32> to vector<1024x128xi32>
    %select_n3A_374 = arith.select %eq3A_371, %broadcast_in_dim3A_373, %select_n3A_338 : vector<1024x128xi1>, vector<1024x128xi32>
    %reduce_min3A_375 = arith.constant dense<0x7F800000> : vector<1024xf32>
    %reduce_min3A_376 = vector.multi_reduction <minimumf>, %select_n3A_362, %reduce_min3A_375 [1] : vector<1024x128xf32> to vector<1024xf32>
    %broadcast_in_dim3A_377 = vector.shape_cast %reduce_min3A_376 : vector<1024xf32> to vector<1024x1xf32>
    %eq3A_378 = vector.broadcast %broadcast_in_dim3A_377 : vector<1024x1xf32> to vector<1024x128xf32>
    %eq3A_379 = arith.cmpf oeq, %select_n3A_362, %eq3A_378 : vector<1024x128xf32>
    %jit3A_380 = arith.constant 128 : i32
    %broadcast_in_dim3A_381 = vector.broadcast %jit3A_380 : i32 to vector<1024x128xi32>
    %select_n3A_382 = arith.select %eq3A_379, %iota3A_5, %broadcast_in_dim3A_381 : vector<1024x128xi1>, vector<1024x128xi32>
    %reduce_min3A_383 = arith.constant dense<2147483647> : vector<1024xi32>
    %reduce_min3A_384 = vector.multi_reduction <minsi>, %select_n3A_382, %reduce_min3A_383 [1] : vector<1024x128xi32> to vector<1024xi32>
    %broadcast_in_dim3A_385 = vector.shape_cast %reduce_min3A_384 : vector<1024xi32> to vector<1024x1xi32>
    %eq3A_386 = vector.broadcast %broadcast_in_dim3A_385 : vector<1024x1xi32> to vector<1024x128xi32>
    %eq3A_387 = arith.cmpi eq, %iota3A_5, %eq3A_386 : vector<1024x128xi32>
    %jit3A_388 = arith.constant 1073741824 : i32
    %broadcast_in_dim3A_389 = vector.broadcast %jit3A_388 : i32 to vector<1024x128xi32>
    %select_n3A_390 = arith.select %eq3A_387, %select_n3A_226, %broadcast_in_dim3A_389 : vector<1024x128xi1>, vector<1024x128xi32>
    %reduce_min3A_391 = arith.constant dense<2147483647> : vector<1024xi32>
    %reduce_min3A_392 = vector.multi_reduction <minsi>, %select_n3A_390, %reduce_min3A_391 [1] : vector<1024x128xi32> to vector<1024xi32>
    %broadcast_in_dim3A_393 = vector.shape_cast %reduce_min3A_392 : vector<1024xi32> to vector<1024x1xi32>
    %eq3A_394 = arith.constant 4 : i32
    %eq3A_395 = vector.broadcast %eq3A_394 : i32 to vector<1024x128xi32>
    %eq3A_396 = arith.cmpi eq, %iota3A_5, %eq3A_395 : vector<1024x128xi32>
    %broadcast_in_dim3A_397 = vector.shape_cast %broadcast_in_dim3A_377 : vector<1024x1xf32> to vector<1024x1xf32>
    %broadcast_in_dim3A_398 = vector.broadcast %broadcast_in_dim3A_397 : vector<1024x1xf32> to vector<1024x128xf32>
    %select_n3A_399 = arith.select %eq3A_396, %broadcast_in_dim3A_398, %select_n3A_368 : vector<1024x128xi1>, vector<1024x128xf32>
    %eq3A_400 = arith.constant 4 : i32
    %eq3A_401 = vector.broadcast %eq3A_400 : i32 to vector<1024x128xi32>
    %eq3A_402 = arith.cmpi eq, %iota3A_5, %eq3A_401 : vector<1024x128xi32>
    %broadcast_in_dim3A_403 = vector.shape_cast %broadcast_in_dim3A_393 : vector<1024x1xi32> to vector<1024x1xi32>
    %broadcast_in_dim3A_404 = vector.broadcast %broadcast_in_dim3A_403 : vector<1024x1xi32> to vector<1024x128xi32>
    %select_n3A_405 = arith.select %eq3A_402, %broadcast_in_dim3A_404, %select_n3A_374 : vector<1024x128xi1>, vector<1024x128xi32>
    %swap3A_406 = arith.constant 0 : index
    %swap3A_407 = arith.constant 0 : index
    %swap3A_408 = vector.load %arg5[%swap3A_406, %swap3A_407] : memref<1024x128xf32, #tpu.memory_space<vmem>>, vector<1024x128xf32>
    tpu.vector_store %arg5[%swap3A_406, %swap3A_407], %select_n3A_399 {strides = array<i32>} : memref<1024x128xf32, #tpu.memory_space<vmem>>, vector<1024x128xf32>,
    %swap3A_409 = arith.constant 0 : index
    %swap3A_410 = arith.constant 0 : index
    %swap3A_411 = vector.load %arg6[%swap3A_409, %swap3A_410] : memref<1024x128xi32, #tpu.memory_space<vmem>>, vector<1024x128xi32>
    tpu.vector_store %arg6[%swap3A_409, %swap3A_410], %select_n3A_405 {strides = array<i32>} : memref<1024x128xi32, #tpu.memory_space<vmem>>, vector<1024x128xi32>,
    return
  }
  func.func @transform_0(%arg0: i32) -> (i32, i32) {
    %c0_i32 = arith.constant 0 : i32
    %c0_i32_0 = arith.constant 0 : i32
    %c0_i32_1 = arith.constant 0 : i32
    return %c0_i32, %c0_i32_0 : i32, i32
  }
  func.func @transform_1(%arg0: i32) -> (i32, i32) {
    %c0_i32 = arith.constant 0 : i32
    %c0_i32_0 = arith.constant 0 : i32
    return %arg0, %c0_i32 : i32, i32
  }
  func.func @transform_2(%arg0: i32) -> (i32, i32) {
    %c0_i32 = arith.constant 0 : i32
    %c0_i32_0 = arith.constant 0 : i32
    %c0_i32_1 = arith.constant 0 : i32
    return %c0_i32, %c0_i32_0 : i32, i32
  }
  func.func @transform_3(%arg0: i32) -> (i32, i32) {
    %c0_i32 = arith.constant 0 : i32
    %c0_i32_0 = arith.constant 0 : i32
    return %c0_i32, %arg0 : i32, i32
  }
  func.func @transform_4(%arg0: i32) -> (i32, i32) {
    %c0_i32 = arith.constant 0 : i32
    %c0_i32_0 = arith.constant 0 : i32
    %c0_i32_1 = arith.constant 0 : i32
    return %c0_i32, %c0_i32_0 : i32, i32
  }
  func.func @transform_5(%arg0: i32) -> (i32, i32) {
    %c0_i32 = arith.constant 0 : i32
    %c0_i32_0 = arith.constant 0 : i32
    %c0_i32_1 = arith.constant 0 : i32
    return %c0_i32, %c0_i32_0 : i32, i32
  }
  func.func @transform_6(%arg0: i32) -> (i32, i32) {
    %c0_i32 = arith.constant 0 : i32
    %c0_i32_0 = arith.constant 0 : i32
    return %c0_i32, %arg0 : i32, i32
  }
}

</mosaic_0001>

<sc_bundles>
// kernel: gather_offload_async_start.1
scs
__scs_entry_jumppad:
0x0: {  	(pc) =	sbr.rel $0x88, $3  }
0x1: {  	(tag) =	ssettag $0x0;
	lr =	simm.s32 $0x1  }
0x2: {  	[smem:$0x3F9A] =	sst lr;
	_ =	strace $0xD0000000  }
0x3: {  	_ = 	snop  }
0x4: {  	_ = 	snop  }
0x5: {  	_ = 	snop  }
0x6: {  	_ = 	snop  }
0x7: {  	_ = 	snop  }
__scs_overlays_trampoline_lowered:
0x8: {  	[smem:$0x3FA9] =	sst s0  }
0x9: {  	[smem:$0x3FAA] =	sst s1  }
0xa: {  	[smem:$0x3FAB] =	sst s2  }
0xb: {  	[smem:$0x3FAC] =	sst s3  }
0xc: {  	[smem:$0x3FAD] =	sst s4  }
0xd: {  	[smem:$0x3FAE] =	sst s5  }
0xe: {  	[smem:$0x3FAF] =	sst s6  }
0xf: {  	[smem:$0x3FB0] =	sst s7  }
0x10: {  	[smem:$0x3FB1] =	sst s8  }
0x11: {  	[smem:$0x3FB2] =	sst s9;
	s0 =	simm.s32 @!p0 $0x0  }
0x12: {  	s1 =	sld [smem:$0x3F98];
	s0 =	simm.s32 @p0 $0x1  }
0x13: {  	[smem:$0x3FB3] =	sst s0;
	s0 =	simm.s32 @!p1 $0x0  }
0x14: {  	s2 =	sld [smem:$0x3F97];
	s0 =	simm.s32 @p1 $0x1  }
0x15: {  	[smem:$0x3FB4] =	sst s0;
	s0 =	simm.s32 @!p2 $0x0  }
0x16: {  	s3 =	sld [smem:$0x3FDB];
	s0 =	simm.s32 @p2 $0x1  }
0x17: {  	s4 =	simm.s32 $0x1BF5;
	[smem:$0x3FB6] =	sst s0  }
0x18: {  	s0 =	sld [smem:$0x3F99];
	_ =	swait.ge [sflag:s4], $0x0  }
0x19: {  	s7 =	sld [smem:$0x3F9A]  }
0x1a: {  	s8 =	sadd.s32 $0xFFFFE003, lr  }
0x1b: {  	s9 =	sadd.s32 $0xFFFFFEF7, lr;
	s5 =	simm.s32 $0xFFFFFFFF;
	p2 =	slt.u32 s8, $0xFFFFF086  }
0x1c: {  	p1 =	slt.u32 s9, $0xF7A;
	s5 =	simm.s32 @!p2 $0x0  }
0x1d: {  	s5 =	simm.s32 @p1 $0x1;
	p0 =	seq.s32 s7, s2  }
0x1e: {  	s7 =	smul.u32 @!p0 $0xF7A, s2;
	p2 =	seq.s32 @!p0 s5, $0x0  }
0x1f: {  	s9 =	smul.u32 $0xF7A, s1;
	s8 =	simm.s32 @!p0 $0x1BF5;
	p2 =	por !p2, p0  }
0x20: {  	[sflag:s8] =	ssyncset.s32 @!p0 $0xFFFFF086;
	s6 =	sadd.s32 @!p0 s3, s7;
	s7 =	simm.s32 @!p0 $0x108  }
0x21: {  	s3 =	sadd.s32 s3, s9;
	s6 =	sadd.s32 @!p0 $0x88, s6;
	s7 =	simm.s32 @p2 $0x1082  }
0x22: {  	[simem:s7], [sflag:s8] =	dma.local @!p0 [hbm:s6], $0xF7A  }
0x23: {  	s9 =	sor.u32 $0xD0000000, s2;
	s6 =	simm.s32 $0x108;
	_ =	swait.ge @!p0 [sflag:s8], $0x0  }
0x24: {  	s3 =	sadd.s32 $0x88, s3;
	s6 =	simm.s32 @!p1 $0x1082;
	[sflag:s4] =	ssyncset.s32 $0xFFFFF086  }
0x25: {  	[simem:s6], [sflag:s4] =	dma.local [hbm:s3], $0xF7A  }
0x26: {  	[smem:$0x3F9A] =	sst s1;
	(tag) =	ssettag s2;
	_ =	strace s9  }
0x27: {  	s1 =	sld [smem:$0x3FAA]  }
0x28: {  	s2 =	sld [smem:$0x3FAB]  }
0x29: {  	s4 =	sld [smem:$0x3FAD]  }
0x2a: {  	p0 =	seq.s32 s5, $0x0;
	s5 =	sld [smem:$0x3FAE]  }
0x2b: {  	s6 =	sld [smem:$0x3FAF]  }
0x2c: {  	s7 =	sld [smem:$0x3FB0]  }
0x2d: {  	s3 =	simm.s32 $0x108;
	s8 =	sld [smem:$0x3FB1]  }
0x2e: {  	s3 =	simm.s32 @!p0 $0x1082;
	s9 =	sld [smem:$0x3FB2]  }
0x2f: {  	lr =	sadd.s32 s0, s3;
	s0 =	sld [smem:$0x3FA9]  }
0x30: {  	s3 =	sld [smem:$0x3FAC]  }
0x31: {  	[smem:$0x3FB5] =	sst s10  }
0x32: {  	s10 =	sld [smem:$0x3FB3];
	_ =	sdelay $0x3  }
0x33: {  	p0 =	seq.s32 s10, $0x1;
	s10 =	sld [smem:$0x3FB5];
	_ =	sdelay $0x3  }
0x34: {  	[smem:$0x3FB5] =	sst s10  }
0x35: {  	s10 =	sld [smem:$0x3FB4];
	_ =	sdelay $0x3  }
0x36: {  	p1 =	seq.s32 s10, $0x1;
	s10 =	sld [smem:$0x3FB5];
	_ =	sdelay $0x3  }
0x37: {  	[smem:$0x3FB5] =	sst s10  }
0x38: {  	s10 =	sld [smem:$0x3FB6]  }
0x39: {  	_ = 	snop;
	(pc) =	sbr.ind lr, $3  }
0x3a: {  	_ = 	snop  }
0x3b: {  	_ = 	snop  }
0x3c: {  	p2 =	seq.s32 s10, $0x1;
	s10 =	sld [smem:$0x3FB5]  }
0x3d: {  	_ =	shalt  }
0x3e: {  	_ =	shalt  }
0x3f: {  	_ =	shalt  }
0x40: {  	_ =	shalt  }
0x41: {  	_ =	shalt  }
0x42: {  	_ =	shalt  }
0x43: {  	_ =	shalt  }
0x44: {  	_ =	shalt  }
0x45: {  	_ =	shalt  }
0x46: {  	_ =	shalt  }
0x47: {  	_ =	shalt  }
0x48: {  	_ =	shalt  }
0x49: {  	_ =	shalt  }
0x4a: {  	_ =	shalt  }
0x4b: {  	_ =	shalt  }
0x4c: {  	_ =	shalt  }
0x4d: {  	_ =	shalt  }
0x4e: {  	_ =	shalt  }
0x4f: {  	_ =	shalt  }
0x50: {  	_ =	shalt  }
0x51: {  	_ =	shalt  }
0x52: {  	_ =	shalt  }
0x53: {  	_ =	shalt  }
0x54: {  	_ =	shalt  }
0x55: {  	_ =	shalt  }
0x56: {  	_ =	shalt  }
0x57: {  	_ =	shalt  }
0x58: {  	_ =	shalt  }
0x59: {  	_ =	shalt  }
0x5a: {  	_ =	shalt  }
0x5b: {  	_ =	shalt  }
0x5c: {  	_ =	shalt  }
0x5d: {  	_ =	shalt  }
0x5e: {  	_ =	shalt  }
0x5f: {  	_ =	shalt  }
0x60: {  	_ =	shalt  }
0x61: {  	_ =	shalt  }
0x62: {  	_ =	shalt  }
0x63: {  	_ =	shalt  }
0x64: {  	_ =	shalt  }
0x65: {  	_ =	shalt  }
0x66: {  	_ =	shalt  }
0x67: {  	_ =	shalt  }
0x68: {  	_ =	shalt  }
0x69: {  	_ =	shalt  }
0x6a: {  	_ =	shalt  }
0x6b: {  	_ =	shalt  }
0x6c: {  	_ =	shalt  }
0x6d: {  	_ =	shalt  }
0x6e: {  	_ =	shalt  }
0x6f: {  	_ =	shalt  }
0x70: {  	_ =	shalt  }
0x71: {  	_ =	shalt  }
0x72: {  	_ =	shalt  }
0x73: {  	_ =	shalt  }
0x74: {  	_ =	shalt  }
0x75: {  	_ =	shalt  }
0x76: {  	_ =	shalt  }
0x77: {  	_ =	shalt  }
0x78: {  	_ =	shalt  }
0x79: {  	_ =	shalt  }
0x7a: {  	_ =	shalt  }
0x7b: {  	_ =	shalt  }
0x7c: {  	_ =	shalt  }
0x7d: {  	_ =	shalt  }
0x7e: {  	_ =	shalt  }
0x7f: {  	_ =	shalt  }
0x80: {  	_ =	shalt  }
0x81: {  	_ =	shalt  }
0x82: {  	_ =	shalt  }
0x83: {  	_ =	shalt  }
0x84: {  	_ =	shalt  }
0x85: {  	_ =	shalt  }
0x86: {  	_ =	shalt  }
0x87: {  	_ =	shalt  }
.Lfunc_end0:
.L_simem_size_0:
called_computation.1_lowered:
.L_overlay_start_0:
0x88: {  	s2 =	sld [smem:$0x3FD9]  }
0x89: {  	s3 =	sld [smem:$0x3FFE];
	_ =	sdelay $0x1  }
0x8a: {  	s1 =	srdreg.scid  }
0x8b: {  	s0 =	sand.u32 $0x1, s1  }
0x8c: {  	s17 =	sshll.u32 s0, $0xA;
	s2 =	sadd.s32 s3, s2  }
0x8d: {  	s2 =	sadd.s32 s2, s17  }
0x8e: {  	[smem:$0x3FC1] =	sst s2  }
0x8f: {  	_ = 	snop  }
0x90: {  	s2 =	sld [smem:$0x3FD0];
	(tm) =	ssettm $0x1  }
0x91: {  	s18 =	sld [smem:$0x3FFB];
	_ =	sdelay $0x3  }
0x92: {  	_ =	strace s18  }
0x93: {  	s3 =	sld [smem:$0x3FFC];
	_ =	sdelay $0x3  }
0x94: {  	_ =	strace s3  }
0x95: {  	s3 =	sld [smem:$0x3FFD];
	_ =	sdelay $0x3  }
0x96: {  	_ =	strace s3  }
0x97: {  	_ =	strace $0x8FFFFFFF  }
0x98: {  	s19 =	sld [smem:$0x3FDB];
	_ =	sdelay $0x1  }
0x99: {  	s4 =	simm.s32 $_scs_section_size  }
0x9a: {  	s5 =	simm.s32 $_size__tile_overlayer_lowered;
	s6 =	simm.s32 $_tile_overlayer_lowered  }
0x9b: {  	s22 =	simm.s32 $0x1BFF;
	s21 =	sshll.u32 s6, $0x1;
	s3 =	sadd.s32 s4, s19  }
0x9c: {  	s7 =	simm.s32 $0x0;
	s20 =	sshll.u32 s5, $0x1;
	s5 =	sadd.s32 s21, s3  }
0x9d: {  	[timem:s7], [sflag:s22] =	dma.local [hbm:s5], s20  }
0x9e: {  	_ =	swait.ge [sflag:s22], s20  }
0x9f: {  	s4 =	ssub.s32 $0x0, s20;
	[sflag:s22] =	ssyncset.done $0x0  }
0xa0: {  	[sflag:s22] =	ssyncadd.s32 s4;
	_ =	sdelay $0x1  }
0xa1: {  	s23 =	simm.s32 $0x1B8B  }
0xa2: {  	_ =	swait.ge [sflag:s23], $0x1  }
0xa3: {  	[sflag:s23] =	ssyncset.done $0x0  }
0xa4: {  	s25 =	simm.s32 $0x1B8E;
	s24 =	sld [smem:$0x3FFE];
	[sflag:s23] =	ssyncadd.s32 $0xFFFFFFFF  }
0xa5: {  	s26 =	simm.s32 $execute0_lowered;
	[smem:$0x3FD2] =	sst s25  }
0xa6: {  	s5 =	sshll.u32 s26, $0x1;
	_ =	strace $0x80000049;
	[dreg:$0x1] =	wrdreg $0xFFFFFFFF  }
0xa7: {  	s28 =	simm.s32 $_size_execute0_lowered;
	s3 =	sadd.s32 s3, s5;
	[dreg:$0x0] =	wrdreg $0x0  }
0xa8: {  	s5 =	sshll.u32 s28, $0x1;
	[dreg:$0x2] =	wrdreg s3  }
0xa9: {  	[dreg:$0x3] =	wrdreg s5  }
0xaa: {  	[dreg:$0x4] =	wrdreg $0xC0  }
0xab: {  	_ =	task [dreg:s7], $0x5FFFF  }
0xac: {  	[dreg:$0x1] =	wrdreg $0xFFFFFFFF  }
0xad: {  	[dreg:$0x0] =	wrdreg $0x60  }
0xae: {  	[dreg:$0x2] =	wrdreg s24  }
0xaf: {  	[dreg:$0x3] =	wrdreg s2  }
0xb0: {  	[dreg:$0x4] =	wrdreg $0x9  }
0xb1: {  	_ =	task.clear_ibuf [dreg:s7], $0x5FFFF;
	_ =	strace $0x90000049  }
0xb2: {  	s29 =	simm.s32 $0x9;
	_ =	strace $0x8000004B  }
0xb3: {  	_ =	swait.ge [sflag:s29], $0x1  }
0xb4: {  	[sflag:s29] =	ssyncadd.s32 $0xFFFFFFFF  }
0xb5: {  	_ =	strace $0x9000004B  }
0xb6: {  	_ =	sfence  }
0xb7: {  	s30 =	sld [smem:$0x0];
	_ =	sdelay $0x2  }
0xb8: {  	s31 =	sshll.u32 s1, $0xD;
	s1 =	sshrl.u32 s1, $0x2  }
0xb9: {  	s3 =	sand.u32 $0x4000, s31;
	s1 =	sadd.s32 s1, s30  }
0xba: {  	s0 =	sor.u32 s3, s0;
	s1 =	sshll.u32 s1, $0x11  }
0xbb: {  	s0 =	sor.u32 s1, s0  }
0xbc: {  	s0 =	sadd.s32 $0x8F2B, s0  }
0xbd: {  	[sflag:s0] =	ssyncadd.remote.s32 $0x1  }
0xbe: {  	_ =	sfence.sel $0xFFFF  }
0xbf: {  	[dreg:$0x0] =	wrdreg $0xFFFFFFFF;
	(pc) =	sbr.abs _section_cstart, $3  }
0xc0: {  	[dreg:$0x1] =	wrdreg $0xFFFFFFFF  }
0xc1: {  	_ =	task.clear_ibuf [dreg:s7], $0x2FFFF;
	_ =	strace $0x9FFFFFFF  }
0xc2: {  	(tm) =	ssettm $0x7FFFFFFF  }
0xc3: {  	_ =	shalt  }
tec
execute0_lowered:
.L_overlay_start_1:
0x0: {  	(tag) =	ssettag $0x1  }
0x1: {  	s5 =	rddreg [dreg:$0x0];
	s0 =	srdreg.scid  }
0x2: {  	s2 =	rddreg [dreg:$0x1];
	s1 =	stileid.u32;
	s6 =	simm.s32 $0x1  }
0x3: {  	s9 =	simm.s32 $0x1;
	s10 =	simm.s32 $0x3;
	s3 =	sshll.u32 s0, $0x7  }
0x4: {  	s13 =	simm.s32 $0x0;
	s4 =	sshll.u32 s1, $0x8;
	s3 =	sand.u32 $0x80, s3  }
0x5: {  	s0 =	rddreg [dreg:$0x2];
	_ =	strace $0x8000004A;
	s3 =	sor.u32 s4, s3  }
0x6: {  	s12 =	simm.s32 $0x0;
	[sflag:s6] =	ssyncpa.u1 $0x0;
	s8 =	ssub.s32 $0x1400, s3  }
.Ltmp0:
0x7: {  	s4 =	sadd.s32 $0x30D800, s5;
	s7 =	sand.u32 $0xF80, s8;
	(pc) =	sbr.rel .LBB2_1-.Ltmp0, $4  }
0x8: {  	s5 =	sadd.s32 $0x186A00, s5;
	s11 =	smov.u32 s3;
	p0 =	sne.s32 s7, $0x0  }
0x9: {  	s8 =	sshrl.u32 s8, $0xC;
	s7 =	simm.s32 $0x2;
	s9 =	simm.s32 @!p0 $0x0  }
0xa: {  	[sflag:s7] =	ssyncpa.u1 $0x0;
	p0 =	por $0x0, $0x0;
	s8 =	sadd.s32 s9, s8  }
0xb: {  	vm0 =	vmmov $0xffff;
	[sflag:s10] =	ssyncpa.u1 $0x0;
	s10 =	simm.s32 $0x0;
	s9 =	sadd.s32 $0x1, s8  }
.LBB2_4:
0xc: {  	v2 =	vnsel vm1, $0x0, v2  }
0xd: {  	vm1 =	vgt.s32 v0, $0x0;
	v2 =	vmin.u32 v2, $0x18FF  }
0xe: {  	v0 =	vnsel vm1, $0x0, v0  }
0xf: {  	v0 =	vmin.u32 v0, $0x18FF  }
0x10: {  	[tilespmem:s15], [sflag:$0x1] =	stream.indirect_vreg.gather [hbm4b:s4+s10], $0x1, v1, vm0, $0x4038;
	[tilespmem:$0x200] =	vst v63  }
0x11: {  	(ifvalue) =	ssetifvalue $0x7FFFFFFF  }
0x12: {  	[tilespmem:s16], [sflag:$0x1] =	stream.indirect_vreg.gather [hbm4b:s4+s10], $0x1, v2, vm0, $0x4038;
	[tilespmem:$0x200] =	vst v63  }
0x13: {  	s29 =	sadd.s32 $0x10, s16;
	(ifvalue) =	ssetifvalue $0x7FFFFFFF  }
0x14: {  	[tilespmem:s29], [sflag:$0x1] =	stream.indirect_vreg.gather [hbm4b:s4+s10], $0x1, v0, vm0, $0x4038;
	[tilespmem:$0x200] =	vst v63  }
0x15: {  	_ =	swait.ge [sflag:s6], $0x80  }
0x16: {  	s30 =	sshrl.u32 s13, $0x3;
	[sflag:s6] =	ssyncset.done $0x0  }
0x17: {  	s31 =	sand.u32 $0x7, s13;
	s15 =	sadd.s32 s5, s30;
	[sflag:s6] =	ssyncadd.s32 $0xFFFFFF80  }
0x18: {  	[hbm4b:s15+s31] =	stream.linear.scatter [tilespmem:s14], [sflag:$0x3], $0x80, $0x38;
	[tilespmem:$0x200] =	vst v63  }
.LBB2_5:
0x19: {  	s15 =	sadd.s32 $0x1000, s11  }
0x1a: {  	p2 =	sgt.s32 s15, $0x13FF  }
0x1b: {  	s15 =	smov.u32 @p2 s3;
	p2 =	sne.s32 s12, s9  }
.Ltmp1:
0x1c: {  	p1 =	slt.u32 s12, $0x2;
	(pc) =	sbr.rel @!p2 .LBB2_6-.Ltmp1, $4  }
0x1d: {  	s14 =	simm.s32 @!p1 $0x3  }
0x1e: {  	s16 =	sadd.s32 $0x1, s12;
	_ =	swait.ge @!p1 [sflag:s14], $0x80  }
0x1f: {  	s13 =	smov.u32 s11;
	p0 =	por !p0, !p0;
	[sflag:s14] =	ssyncset.done @!p1 $0x0  }
0x20: {  	s12 =	smov.u32 s16;
	s11 =	smov.u32 s15;
	[sflag:s14] =	ssyncadd.s32 @!p1 $0xFFFFFF80  }
.LBB2_1:
0x21: {  	p1 =	sge.u32 s12, s8  }
0x22: {  	s14 =	sxor.u32 @!p1 $0xFFFFFFFF, s12  }
0x23: {  	s31 =	sadd.s32 $0xFFFFFFFF, s12;
	s15 =	sshrl.u32 @!p1 s11, $0x3;
	s14 =	sshll.u32 @!p1 s14, $0x7  }
0x24: {  	s16 =	sand.u32 @!p1 $0x7, s11;
	s15 =	sadd.s32 @!p1 s2, s15;
	s14 =	sand.u32 @!p1 $0x80, s14  }
0x25: {  	[tilespmem:s14], [sflag:$0x2] =	stream.linear.gather @!p1 [hbm4b:s15+s16], $0x80, $0x38;
	[tilespmem:$0x200] =	vst v63  }
0x26: {  	p1 =	sge.u32 s31, s8  }
.Ltmp2:
0x27: {  	_ = 	snop;
	(pc) =	sbr.rel @p1 .LBB2_5-.Ltmp2, $1  }
0x28: {  	_ =	sdelay $0x3  }
0x29: {  	s14 =	simm.s32 $0x1  }
0x2a: {  	_ =	swait.ge [sflag:s7], $0x80;
	s14 =	simm.s32 @!p0 $0x0  }
0x2b: {  	[sflag:s7] =	ssyncset.done $0x0;
	s14 =	sshll.u32 s14, $0x7  }
0x2c: {  	[sflag:s7] =	ssyncadd.s32 $0xFFFFFF80;
	(ifvalue) =	ssetifvalue $0x7FFFFFFF;
	v0 =	vld.msk [tilespmem:s14+$0x0 ss:$0x1], $0xffff;
	_ =	sdelay $0x4  }
0x2d: {  	s15 =	sadd.s32 $0x10, s14;
	vm1 =	vgt.s32 v0, $0x0  }
0x2e: {  	v2 =	vld.msk [tilespmem:s15+$0x0 ss:$0x1], $0xffff;
	v1 =	vnsel vm1, $0x0, v0  }
0x2f: {  	v1 =	vmin.u32 v1, $0x18FF;
	_ =	sdelay $0x1  }
0x30: {  	s16 =	sshll.u32 s12, $0x7;
	s18 =	simm.s32 $0x20  }
0x31: {  	s16 =	sand.u32 $0x80, s16;
	s17 =	sadd.s32 $0x10, s15;
	s15 =	sor.u32 $0x100, s14  }
0x32: {  	s14 =	sor.u32 $0x100, s16;
	s16 =	sadd.s32 $0x10, s15;
	v0 =	vld.msk [tilespmem:s17+$0x0 ss:$0x1], $0xffff;
	vm1 =	vgt.s32 v2, $0x0;
	(ifvalue) =	ssetifvalue $0x7FFFFFFF  }
.LBB2_3:
0x33: {  	[tilespmem:s15], [sflag:$0x1] =	stream.indirect_vreg.gather [hbm4b:s4+s10], $0x1, v1, vm0, $0x4038;
	[tilespmem:$0x200] =	vst v63  }
0x34: {  	s18 =	sadd.s32 $0x10, s18  }
0x35: {  	v2 =	vnsel vm1, $0x0, v2;
	p1 =	slt.u32 s18, $0x70  }
.Ltmp3:
0x36: {  	s15 =	smov.u32 s16;
	v1 =	vmin.u32 v2, $0x18FF;
	(pc) =	sbr.rel @p1 .LBB2_3-.Ltmp3, $3  }
0x37: {  	_ =	sdelay $0x1  }
0x38: {  	s17 =	sadd.s32 $0x10, s17  }
0x39: {  	vm1 =	vgt.s32 v0, $0x0;
	s16 =	sadd.s32 $0x10, s16;
	v2 =	vmov v0;
	(ifvalue) =	ssetifvalue $0x7FFFFFFF;
	v0 =	vld.msk [tilespmem:s17+$0x0 ss:$0x1], $0xffff  }
.Ltmp4:
0x3a: {  	_ = 	snop;
	(pc) =	sbr.rel .LBB2_4-.Ltmp4, $1  }
0x3b: {  	_ =	sdelay $0x3  }
.LBB2_6:
0x3c: {  	_ =	sfence.sel $0x180000  }
0x3d: {  	s2 =	simm.s32 $0x2;
	[bflag:$0x0] =	sbarrier.arrive $0xFFFF  }
0x3e: {  	s30 =	simm.s32 $0x3;
	[sflag:s2] =	ssyncpa.u1 $0x1  }
0x3f: {  	s31 =	simm.s32 $0x1;
	[sflag:s30] =	ssyncpa.u1 $0x1  }
0x40: {  	[sflag:s31] =	ssyncpa.u1 $0x1  }
0x41: {  	p0 =	sne.s32 s1, $0x0;
	_ =	strace $0x9000004A  }
0x42: {  	s0 =	sadd.s32 @!p0 $0x100000, s0;
	[bflag:$0x2] =	sbarrier.arrive $0xFFFF  }
0x43: {  	[sflag:s0] =	ssyncadd.tile.s32 @!p0 $0x1;
	_ =	shalt  }
.Lfunc_end2:
_tile_overlayer_lowered:
.L_overlay_start_2:
0x44: {  	(tag) =	ssettag $0x2  }
0x45: {  	s0 =	rddreg [dreg:$0x0];
	s2 =	stileid.u32  }
0x46: {  	s1 =	rddreg [dreg:$0x1];
	p0 =	sne.s32 s2, $0x0  }
0x47: {  	s3 =	rddreg [dreg:$0x2];
	[bflag:$0x3] =	sbarrier.arrive $0xFFFF;
	s2 =	simm.s32 @!p0 $0x1C01  }
0x48: {  	[timem:s3], [sflag:s2] =	dma.local @!p0 [hbm:s0], s1  }
0x49: {  	s0 =	simm.s32 @!p0 $0x1  }
0x4a: {  	_ =	swait.ge @!p0 [sflag:s0], s1  }
0x4b: {  	s1 =	ssub.s32 @!p0 $0x0, s1;
	[sflag:s0] =	ssyncset.done @!p0 $0x0  }
0x4c: {  	[sflag:s0] =	ssyncadd.s32 @!p0 s1  }
0x4d: {  	[bflag:$0x3] =	sbarrier.arrive $0xFFFF  }
0x4e: {  	_ =	shalt  }

// kernel: gather_offload_async_start.2
scs
__scs_entry_jumppad:
0x0: {  	(pc) =	sbr.rel $0x88, $3  }
0x1: {  	(tag) =	ssettag $0x0;
	lr =	simm.s32 $0x1  }
0x2: {  	[smem:$0x3F9A] =	sst lr;
	_ =	strace $0xD0000000  }
0x3: {  	_ = 	snop  }
0x4: {  	_ = 	snop  }
0x5: {  	_ = 	snop  }
0x6: {  	_ = 	snop  }
0x7: {  	_ = 	snop  }
__scs_overlays_trampoline_lowered:
0x8: {  	[smem:$0x3FA9] =	sst s0  }
0x9: {  	[smem:$0x3FAA] =	sst s1  }
0xa: {  	[smem:$0x3FAB] =	sst s2  }
0xb: {  	[smem:$0x3FAC] =	sst s3  }
0xc: {  	[smem:$0x3FAD] =	sst s4  }
0xd: {  	[smem:$0x3FAE] =	sst s5  }
0xe: {  	[smem:$0x3FAF] =	sst s6  }
0xf: {  	[smem:$0x3FB0] =	sst s7  }
0x10: {  	[smem:$0x3FB1] =	sst s8  }
0x11: {  	[smem:$0x3FB2] =	sst s9;
	s0 =	simm.s32 @!p0 $0x0  }
0x12: {  	s1 =	sld [smem:$0x3F98];
	s0 =	simm.s32 @p0 $0x1  }
0x13: {  	[smem:$0x3FB3] =	sst s0;
	s0 =	simm.s32 @!p1 $0x0  }
0x14: {  	s2 =	sld [smem:$0x3F97];
	s0 =	simm.s32 @p1 $0x1  }
0x15: {  	[smem:$0x3FB4] =	sst s0;
	s0 =	simm.s32 @!p2 $0x0  }
0x16: {  	s3 =	sld [smem:$0x3FDB];
	s0 =	simm.s32 @p2 $0x1  }
0x17: {  	s4 =	simm.s32 $0x1BF5;
	[smem:$0x3FB6] =	sst s0  }
0x18: {  	s0 =	sld [smem:$0x3F99];
	_ =	swait.ge [sflag:s4], $0x0  }
0x19: {  	s7 =	sld [smem:$0x3F9A]  }
0x1a: {  	s8 =	sadd.s32 $0xFFFFE003, lr  }
0x1b: {  	s9 =	sadd.s32 $0xFFFFFEF7, lr;
	s5 =	simm.s32 $0xFFFFFFFF;
	p2 =	slt.u32 s8, $0xFFFFF086  }
0x1c: {  	p1 =	slt.u32 s9, $0xF7A;
	s5 =	simm.s32 @!p2 $0x0  }
0x1d: {  	s5 =	simm.s32 @p1 $0x1;
	p0 =	seq.s32 s7, s2  }
0x1e: {  	s7 =	smul.u32 @!p0 $0xF7A, s2;
	p2 =	seq.s32 @!p0 s5, $0x0  }
0x1f: {  	s9 =	smul.u32 $0xF7A, s1;
	s8 =	simm.s32 @!p0 $0x1BF5;
	p2 =	por !p2, p0  }
0x20: {  	[sflag:s8] =	ssyncset.s32 @!p0 $0xFFFFF086;
	s6 =	sadd.s32 @!p0 s3, s7;
	s7 =	simm.s32 @!p0 $0x108  }
0x21: {  	s3 =	sadd.s32 s3, s9;
	s6 =	sadd.s32 @!p0 $0x88, s6;
	s7 =	simm.s32 @p2 $0x1082  }
0x22: {  	[simem:s7], [sflag:s8] =	dma.local @!p0 [hbm:s6], $0xF7A  }
0x23: {  	s9 =	sor.u32 $0xD0000000, s2;
	s6 =	simm.s32 $0x108;
	_ =	swait.ge @!p0 [sflag:s8], $0x0  }
0x24: {  	s3 =	sadd.s32 $0x88, s3;
	s6 =	simm.s32 @!p1 $0x1082;
	[sflag:s4] =	ssyncset.s32 $0xFFFFF086  }
0x25: {  	[simem:s6], [sflag:s4] =	dma.local [hbm:s3], $0xF7A  }
0x26: {  	[smem:$0x3F9A] =	sst s1;
	(tag) =	ssettag s2;
	_ =	strace s9  }
0x27: {  	s1 =	sld [smem:$0x3FAA]  }
0x28: {  	s2 =	sld [smem:$0x3FAB]  }
0x29: {  	s4 =	sld [smem:$0x3FAD]  }
0x2a: {  	p0 =	seq.s32 s5, $0x0;
	s5 =	sld [smem:$0x3FAE]  }
0x2b: {  	s6 =	sld [smem:$0x3FAF]  }
0x2c: {  	s7 =	sld [smem:$0x3FB0]  }
0x2d: {  	s3 =	simm.s32 $0x108;
	s8 =	sld [smem:$0x3FB1]  }
0x2e: {  	s3 =	simm.s32 @!p0 $0x1082;
	s9 =	sld [smem:$0x3FB2]  }
0x2f: {  	lr =	sadd.s32 s0, s3;
	s0 =	sld [smem:$0x3FA9]  }
0x30: {  	s3 =	sld [smem:$0x3FAC]  }
0x31: {  	[smem:$0x3FB5] =	sst s10  }
0x32: {  	s10 =	sld [smem:$0x3FB3];
	_ =	sdelay $0x3  }
0x33: {  	p0 =	seq.s32 s10, $0x1;
	s10 =	sld [smem:$0x3FB5];
	_ =	sdelay $0x3  }
0x34: {  	[smem:$0x3FB5] =	sst s10  }
0x35: {  	s10 =	sld [smem:$0x3FB4];
	_ =	sdelay $0x3  }
0x36: {  	p1 =	seq.s32 s10, $0x1;
	s10 =	sld [smem:$0x3FB5];
	_ =	sdelay $0x3  }
0x37: {  	[smem:$0x3FB5] =	sst s10  }
0x38: {  	s10 =	sld [smem:$0x3FB6]  }
0x39: {  	_ = 	snop;
	(pc) =	sbr.ind lr, $3  }
0x3a: {  	_ = 	snop  }
0x3b: {  	_ = 	snop  }
0x3c: {  	p2 =	seq.s32 s10, $0x1;
	s10 =	sld [smem:$0x3FB5]  }
0x3d: {  	_ =	shalt  }
0x3e: {  	_ =	shalt  }
0x3f: {  	_ =	shalt  }
0x40: {  	_ =	shalt  }
0x41: {  	_ =	shalt  }
0x42: {  	_ =	shalt  }
0x43: {  	_ =	shalt  }
0x44: {  	_ =	shalt  }
0x45: {  	_ =	shalt  }
0x46: {  	_ =	shalt  }
0x47: {  	_ =	shalt  }
0x48: {  	_ =	shalt  }
0x49: {  	_ =	shalt  }
0x4a: {  	_ =	shalt  }
0x4b: {  	_ =	shalt  }
0x4c: {  	_ =	shalt  }
0x4d: {  	_ =	shalt  }
0x4e: {  	_ =	shalt  }
0x4f: {  	_ =	shalt  }
0x50: {  	_ =	shalt  }
0x51: {  	_ =	shalt  }
0x52: {  	_ =	shalt  }
0x53: {  	_ =	shalt  }
0x54: {  	_ =	shalt  }
0x55: {  	_ =	shalt  }
0x56: {  	_ =	shalt  }
0x57: {  	_ =	shalt  }
0x58: {  	_ =	shalt  }
0x59: {  	_ =	shalt  }
0x5a: {  	_ =	shalt  }
0x5b: {  	_ =	shalt  }
0x5c: {  	_ =	shalt  }
0x5d: {  	_ =	shalt  }
0x5e: {  	_ =	shalt  }
0x5f: {  	_ =	shalt  }
0x60: {  	_ =	shalt  }
0x61: {  	_ =	shalt  }
0x62: {  	_ =	shalt  }
0x63: {  	_ =	shalt  }
0x64: {  	_ =	shalt  }
0x65: {  	_ =	shalt  }
0x66: {  	_ =	shalt  }
0x67: {  	_ =	shalt  }
0x68: {  	_ =	shalt  }
0x69: {  	_ =	shalt  }
0x6a: {  	_ =	shalt  }
0x6b: {  	_ =	shalt  }
0x6c: {  	_ =	shalt  }
0x6d: {  	_ =	shalt  }
0x6e: {  	_ =	shalt  }
0x6f: {  	_ =	shalt  }
0x70: {  	_ =	shalt  }
0x71: {  	_ =	shalt  }
0x72: {  	_ =	shalt  }
0x73: {  	_ =	shalt  }
0x74: {  	_ =	shalt  }
0x75: {  	_ =	shalt  }
0x76: {  	_ =	shalt  }
0x77: {  	_ =	shalt  }
0x78: {  	_ =	shalt  }
0x79: {  	_ =	shalt  }
0x7a: {  	_ =	shalt  }
0x7b: {  	_ =	shalt  }
0x7c: {  	_ =	shalt  }
0x7d: {  	_ =	shalt  }
0x7e: {  	_ =	shalt  }
0x7f: {  	_ =	shalt  }
0x80: {  	_ =	shalt  }
0x81: {  	_ =	shalt  }
0x82: {  	_ =	shalt  }
0x83: {  	_ =	shalt  }
0x84: {  	_ =	shalt  }
0x85: {  	_ =	shalt  }
0x86: {  	_ =	shalt  }
0x87: {  	_ =	shalt  }
.Lfunc_end0:
.L_simem_size_0:
called_computation.2_lowered:
.L_overlay_start_0:
0x88: {  	s2 =	sld [smem:$0x3FD9]  }
0x89: {  	s3 =	sld [smem:$0x3FFE];
	_ =	sdelay $0x1  }
0x8a: {  	s1 =	srdreg.scid  }
0x8b: {  	s0 =	sand.u32 $0x1, s1  }
0x8c: {  	s17 =	sshll.u32 s0, $0xA;
	s2 =	sadd.s32 s3, s2  }
0x8d: {  	s2 =	sadd.s32 s2, s17  }
0x8e: {  	[smem:$0x3FC1] =	sst s2  }
0x8f: {  	_ = 	snop  }
0x90: {  	s2 =	sld [smem:$0x3FD0];
	(tm) =	ssettm $0x1  }
0x91: {  	s18 =	sld [smem:$0x3FFB];
	_ =	sdelay $0x3  }
0x92: {  	_ =	strace s18  }
0x93: {  	s3 =	sld [smem:$0x3FFC];
	_ =	sdelay $0x3  }
0x94: {  	_ =	strace s3  }
0x95: {  	s3 =	sld [smem:$0x3FFD];
	_ =	sdelay $0x3  }
0x96: {  	_ =	strace s3  }
0x97: {  	_ =	strace $0x8FFFFFFF  }
0x98: {  	s19 =	sld [smem:$0x3FDB];
	_ =	sdelay $0x1  }
0x99: {  	s4 =	simm.s32 $_scs_section_size  }
0x9a: {  	s5 =	simm.s32 $_size__tile_overlayer_lowered;
	s6 =	simm.s32 $_tile_overlayer_lowered  }
0x9b: {  	s22 =	simm.s32 $0x1BFF;
	s21 =	sshll.u32 s6, $0x1;
	s3 =	sadd.s32 s4, s19  }
0x9c: {  	s7 =	simm.s32 $0x0;
	s20 =	sshll.u32 s5, $0x1;
	s5 =	sadd.s32 s21, s3  }
0x9d: {  	[timem:s7], [sflag:s22] =	dma.local [hbm:s5], s20  }
0x9e: {  	_ =	swait.ge [sflag:s22], s20  }
0x9f: {  	s4 =	ssub.s32 $0x0, s20;
	[sflag:s22] =	ssyncset.done $0x0  }
0xa0: {  	[sflag:s22] =	ssyncadd.s32 s4;
	_ =	sdelay $0x1  }
0xa1: {  	s23 =	simm.s32 $0x1B8B  }
0xa2: {  	_ =	swait.ge [sflag:s23], $0x1  }
0xa3: {  	[sflag:s23] =	ssyncset.done $0x0  }
0xa4: {  	s25 =	simm.s32 $0x1B8E;
	s24 =	sld [smem:$0x3FFE];
	[sflag:s23] =	ssyncadd.s32 $0xFFFFFFFF  }
0xa5: {  	s26 =	simm.s32 $execute0_lowered;
	[smem:$0x3FD2] =	sst s25  }
0xa6: {  	s5 =	sshll.u32 s26, $0x1;
	_ =	strace $0x8000004C;
	[dreg:$0x1] =	wrdreg $0xFFFFFFFF  }
0xa7: {  	s28 =	simm.s32 $_size_execute0_lowered;
	s3 =	sadd.s32 s3, s5;
	[dreg:$0x0] =	wrdreg $0x0  }
0xa8: {  	s5 =	sshll.u32 s28, $0x1;
	[dreg:$0x2] =	wrdreg s3  }
0xa9: {  	[dreg:$0x3] =	wrdreg s5  }
0xaa: {  	[dreg:$0x4] =	wrdreg $0xC0  }
0xab: {  	_ =	task [dreg:s7], $0x5FFFF  }
0xac: {  	[dreg:$0x1] =	wrdreg $0xFFFFFFFF  }
0xad: {  	[dreg:$0x0] =	wrdreg $0x60  }
0xae: {  	[dreg:$0x2] =	wrdreg s24  }
0xaf: {  	[dreg:$0x3] =	wrdreg s2  }
0xb0: {  	[dreg:$0x4] =	wrdreg $0x9  }
0xb1: {  	_ =	task.clear_ibuf [dreg:s7], $0x5FFFF;
	_ =	strace $0x9000004C  }
0xb2: {  	s29 =	simm.s32 $0x9;
	_ =	strace $0x8000004E  }
0xb3: {  	_ =	swait.ge [sflag:s29], $0x1  }
0xb4: {  	[sflag:s29] =	ssyncadd.s32 $0xFFFFFFFF  }
0xb5: {  	_ =	strace $0x9000004E  }
0xb6: {  	_ =	sfence  }
0xb7: {  	s30 =	sld [smem:$0x0];
	_ =	sdelay $0x2  }
0xb8: {  	s31 =	sshll.u32 s1, $0xD;
	s1 =	sshrl.u32 s1, $0x2  }
0xb9: {  	s3 =	sand.u32 $0x4000, s31;
	s1 =	sadd.s32 s1, s30  }
0xba: {  	s0 =	sor.u32 s3, s0;
	s1 =	sshll.u32 s1, $0x11  }
0xbb: {  	s0 =	sor.u32 s1, s0  }
0xbc: {  	s0 =	sadd.s32 $0x8F2B, s0  }
0xbd: {  	[sflag:s0] =	ssyncadd.remote.s32 $0x1  }
0xbe: {  	_ =	sfence.sel $0xFFFF  }
0xbf: {  	[dreg:$0x0] =	wrdreg $0xFFFFFFFF;
	(pc) =	sbr.abs _section_cstart, $3  }
0xc0: {  	[dreg:$0x1] =	wrdreg $0xFFFFFFFF  }
0xc1: {  	_ =	task.clear_ibuf [dreg:s7], $0x2FFFF;
	_ =	strace $0x9FFFFFFF  }
0xc2: {  	(tm) =	ssettm $0x7FFFFFFF  }
0xc3: {  	_ =	shalt  }
tec
execute0_lowered:
.L_overlay_start_1:
0x0: {  	(tag) =	ssettag $0x1  }
0x1: {  	s0 =	srdreg.scid  }
0x2: {  	s1 =	sshll.u32 s0, $0x4  }
0x3: {  	s0 =	stileid.u32;
	s1 =	sand.u32 $0x10, s1  }
0x4: {  	s1 =	sor.u32 s0, s1  }
0x5: {  	s3 =	rddreg [dreg:$0x0];
	s2 =	smin.u32 s1, $0x8  }
0x6: {  	p0 =	slt.u32 s1, $0x8;
	s2 =	sadd.s32 s1, s2;
	s1 =	simm.s32 $0x100  }
0x7: {  	s4 =	rddreg [dreg:$0x1];
	s2 =	sshll.u32 s2, $0x7;
	s1 =	simm.s32 @!p0 $0x80  }
0x8: {  	s6 =	simm.s32 $0x1;
	s7 =	simm.s32 $0x2;
	s1 =	sadd.s32 s1, s2  }
0x9: {  	s10 =	simm.s32 $0x3;
	s13 =	simm.s32 $0x0;
	s5 =	smin.u32 s1, $0x1400  }
.Ltmp0:
0xa: {  	s12 =	simm.s32 $0x0;
	s8 =	ssub.s32 s5, s2;
	(pc) =	sbr.rel .LBB2_1-.Ltmp0, $4  }
0xb: {  	s1 =	rddreg [dreg:$0x2];
	_ =	strace $0x8000004D;
	p0 =	sgt.s32 s8, $0x0  }
0xc: {  	s9 =	sadd.s32 $0x186A00, s3;
	[sflag:s6] =	ssyncpa.u1 $0x0;
	s8 =	simm.s32 @!p0 $0x0  }
0xd: {  	s11 =	smov.u32 s2;
	[sflag:s7] =	ssyncpa.u1 $0x0;
	s8 =	sshrl.u32 s8, $0x7  }
0xe: {  	vm0 =	vmmov $0xff;
	vm1 =	vcmask $0x3F20;
	[sflag:s10] =	ssyncpa.u1 $0x0;
	p0 =	por $0x0, $0x0;
	s10 =	sadd.s32 $0x1, s8  }
.LBB2_6:
0xf: {  	[hbm:s17] =	stream.linear.scatter [tilespmem:s14], [sflag:$0x3], $0x400, $0x38;
	[tilespmem:$0x8100] =	vst v63  }
.LBB2_7:
0x10: {  	s13 =	sadd.s32 $0x80, s11  }
0x11: {  	s15 =	smov.u32 s2;
	p2 =	slt.s32 s13, s5  }
0x12: {  	s15 =	smov.u32 @p2 s13;
	p2 =	sne.s32 s12, s10  }
.Ltmp1:
0x13: {  	p1 =	slt.u32 s12, $0x2;
	(pc) =	sbr.rel @!p2 .LBB2_8-.Ltmp1, $4  }
0x14: {  	s14 =	simm.s32 @!p1 $0x3  }
0x15: {  	s16 =	sadd.s32 $0x1, s12;
	_ =	swait.ge @!p1 [sflag:s14], $0x4000  }
0x16: {  	p0 =	por !p0, !p0;
	s13 =	smov.u32 s11;
	[sflag:s14] =	ssyncset.done @!p1 $0x0  }
0x17: {  	s12 =	smov.u32 s16;
	s11 =	smov.u32 s15;
	[sflag:s14] =	ssyncadd.s32 @!p1 $0xFFFFC000  }
.LBB2_1:
0x18: {  	p1 =	sge.u32 s12, s8  }
0x19: {  	s14 =	sxor.u32 @!p1 $0xFFFFFFFF, s12  }
0x1a: {  	s31 =	sadd.s32 $0xFFFFFFFF, s12;
	s15 =	sshrl.u32 @!p1 s11, $0x3;
	s14 =	sshll.u32 @!p1 s14, $0x7  }
0x1b: {  	s16 =	sand.u32 @!p1 $0x7, s11;
	s15 =	sadd.s32 @!p1 s4, s15;
	s14 =	sand.u32 @!p1 $0x80, s14  }
0x1c: {  	[tilespmem:s14], [sflag:$0x2] =	stream.linear.gather @!p1 [hbm4b:s15+s16], $0x80, $0x38;
	[tilespmem:$0x8100] =	vst v63  }
0x1d: {  	p1 =	sge.u32 s31, s8  }
.Ltmp2:
0x1e: {  	_ = 	snop;
	(pc) =	sbr.rel @p1 .LBB2_7-.Ltmp2, $1  }
0x1f: {  	_ =	sdelay $0x3  }
0x20: {  	s14 =	simm.s32 $0x1  }
0x21: {  	_ =	swait.ge [sflag:s7], $0x80;
	s14 =	simm.s32 @!p0 $0x0  }
0x22: {  	[sflag:s7] =	ssyncset.done $0x0;
	s16 =	sshll.u32 s14, $0x7  }
0x23: {  	[sflag:s7] =	ssyncadd.s32 $0xFFFFFF80;
	s15 =	sadd.s32 $0x0, s16  }
0x24: {  	v0 =	vld.msk [tilespmem:s15+$0x0 ss:$0x1], $0xffff;
	_ =	sdelay $0x4  }
0x25: {  	vm2 =	vgt.s32 v0, $0x0  }
0x26: {  	v0 =	vnsel vm2, $0x0, v0  }
0x27: {  	v0 =	vmin.u32 v0, $0x1869F  }
0x28: {  	v0 =	vshll.u32 v0, $0x4;
	_ =	sdelay $0x2  }
0x29: {  	s14 =	sshll.u32 s14, $0xE  }
0x2a: {  	s14 =	sor.u32 $0x100, s14  }
0x2b: {  	[tilespmem:s14], [sflag:$0x1] =	stream.indirect_vreg.gather [hbm:s3], $0x80, v0, vm0, $0x38;
	[tilespmem:$0x8100] =	vst v63  }
0x2c: {  	s17 =	sadd.s32 $0x10, s16;
	s15 =	sadd.s32 $0x400, s14  }
0x2d: {  	[tilespmem:s15], [sflag:$0x1] =	stream.indirect_vreg.gather [hbm:s3], $0x80, v0, vm1, $0x38;
	[tilespmem:$0x8100] =	vst v63  }
0x2e: {  	s18 =	simm.s32 $0x80;
	v0 =	vld.msk [tilespmem:s17+$0x0 ss:$0x1], $0xffff;
	s17 =	smov.u32 s14  }
.LBB2_3:
0x2f: {  	p1 =	sne.s32 s18, $0x1C0;
	_ =	sdelay $0x4  }
0x30: {  	vm2 =	vgt.s32 v0, $0x0  }
0x31: {  	v0 =	vnsel vm2, $0x0, v0  }
0x32: {  	v0 =	vmin.u32 v0, $0x1869F  }
0x33: {  	v0 =	vshll.u32 v0, $0x4;
	_ =	sdelay $0x3  }
.Ltmp3:
0x34: {  	s19 =	sshra.s32 s18, $0x2;
	s17 =	sadd.s32 $0x800, s17;
	(pc) =	sbr.rel @p1 .LBB2_3-.Ltmp3, $4  }
0x35: {  	[tilespmem:s17], [sflag:$0x1] =	stream.indirect_vreg.gather [hbm:s3], $0x80, v0, vm0, $0x38;
	[tilespmem:$0x8100] =	vst v63  }
0x36: {  	s19 =	sadd.s32 s19, s16;
	s20 =	sadd.s32 $0x400, s17  }
0x37: {  	[tilespmem:s20], [sflag:$0x1] =	stream.indirect_vreg.gather [hbm:s3], $0x80, v0, vm1, $0x38;
	[tilespmem:$0x8100] =	vst v63  }
0x38: {  	s18 =	sadd.s32 $0x40, s18;
	v0 =	vld.msk [tilespmem:s19+$0x0 ss:$0x1], $0xffff  }
0x39: {  	_ =	sdelay $0x3  }
0x3a: {  	vm2 =	vgt.s32 v0, $0x0  }
0x3b: {  	v0 =	vnsel vm2, $0x0, v0  }
0x3c: {  	v0 =	vmin.u32 v0, $0x1869F  }
0x3d: {  	v0 =	vshll.u32 v0, $0x4;
	_ =	sdelay $0x3  }
0x3e: {  	s16 =	sadd.s32 $0x800, s17  }
0x3f: {  	[tilespmem:s16], [sflag:$0x1] =	stream.indirect_vreg.gather [hbm:s3], $0x80, v0, vm0, $0x38;
	[tilespmem:$0x8100] =	vst v63  }
0x40: {  	s16 =	sadd.s32 $0x400, s16  }
0x41: {  	[tilespmem:s16], [sflag:$0x1] =	stream.indirect_vreg.gather [hbm:s3], $0x80, v0, vm1, $0x38;
	[tilespmem:$0x8100] =	vst v63  }
0x42: {  	s13 =	sshll.u32 s13, $0x4;
	_ =	swait.ge [sflag:s6], $0x4000  }
0x43: {  	s13 =	sadd.s32 s13, s9;
	[sflag:s6] =	ssyncset.done $0x0  }
0x44: {  	s17 =	sadd.s32 $0x0, s13;
	s16 =	simm.s32 $0x80;
	[sflag:s6] =	ssyncadd.s32 $0xFFFFC000  }
.LBB2_5:
0x45: {  	[hbm:s17] =	stream.linear.scatter [tilespmem:s14], [sflag:$0x3], $0x400, $0x38;
	[tilespmem:$0x8100] =	vst v63  }
0x46: {  	s17 =	smov.u32 s16;
	s14 =	smov.u32 s15;
	p1 =	sne.s32 s16, $0x780  }
.Ltmp4:
0x47: {  	s16 =	sadd.s32 $0x80, s16;
	(pc) =	sbr.rel @p1 .LBB2_5-.Ltmp4, $2  }
0x48: {  	_ =	sdelay $0x2  }
0x49: {  	s15 =	sadd.s32 $0x400, s15;
	s17 =	sadd.s32 s17, s13  }
.Ltmp5:
0x4a: {  	_ = 	snop;
	(pc) =	sbr.rel .LBB2_6-.Ltmp5, $1  }
0x4b: {  	_ =	sdelay $0x3  }
.LBB2_8:
0x4c: {  	_ =	sfence.sel $0x180000  }
0x4d: {  	s2 =	simm.s32 $0x2;
	[bflag:$0x0] =	sbarrier.arrive $0xFFFF  }
0x4e: {  	s30 =	simm.s32 $0x3;
	[sflag:s2] =	ssyncpa.u1 $0x1  }
0x4f: {  	s31 =	simm.s32 $0x1;
	[sflag:s30] =	ssyncpa.u1 $0x1  }
0x50: {  	[sflag:s31] =	ssyncpa.u1 $0x1  }
0x51: {  	p0 =	sne.s32 s0, $0x0;
	_ =	strace $0x9000004D  }
0x52: {  	s0 =	sadd.s32 @!p0 $0x100000, s1;
	[bflag:$0x2] =	sbarrier.arrive $0xFFFF  }
0x53: {  	[sflag:s0] =	ssyncadd.tile.s32 @!p0 $0x1;
	_ =	shalt  }
.Lfunc_end2:
_tile_overlayer_lowered:
.L_overlay_start_2:
0x54: {  	(tag) =	ssettag $0x2  }
0x55: {  	s0 =	rddreg [dreg:$0x0];
	s2 =	stileid.u32  }
0x56: {  	s1 =	rddreg [dreg:$0x1];
	p0 =	sne.s32 s2, $0x0  }
0x57: {  	s3 =	rddreg [dreg:$0x2];
	[bflag:$0x3] =	sbarrier.arrive $0xFFFF;
	s2 =	simm.s32 @!p0 $0x1C01  }
0x58: {  	[timem:s3], [sflag:s2] =	dma.local @!p0 [hbm:s0], s1  }
0x59: {  	s0 =	simm.s32 @!p0 $0x1  }
0x5a: {  	_ =	swait.ge @!p0 [sflag:s0], s1  }
0x5b: {  	s1 =	ssub.s32 @!p0 $0x0, s1;
	[sflag:s0] =	ssyncset.done @!p0 $0x0  }
0x5c: {  	[sflag:s0] =	ssyncadd.s32 @!p0 s1  }
0x5d: {  	[bflag:$0x3] =	sbarrier.arrive $0xFFFF  }
0x5e: {  	_ =	shalt  }

// kernel: gather_offload_async_start
scs
__scs_entry_jumppad:
0x0: {  	(pc) =	sbr.rel $0x88, $3  }
0x1: {  	(tag) =	ssettag $0x0;
	lr =	simm.s32 $0x1  }
0x2: {  	[smem:$0x3F9A] =	sst lr;
	_ =	strace $0xD0000000  }
0x3: {  	_ = 	snop  }
0x4: {  	_ = 	snop  }
0x5: {  	_ = 	snop  }
0x6: {  	_ = 	snop  }
0x7: {  	_ = 	snop  }
__scs_overlays_trampoline_lowered:
0x8: {  	[smem:$0x3FA9] =	sst s0  }
0x9: {  	[smem:$0x3FAA] =	sst s1  }
0xa: {  	[smem:$0x3FAB] =	sst s2  }
0xb: {  	[smem:$0x3FAC] =	sst s3  }
0xc: {  	[smem:$0x3FAD] =	sst s4  }
0xd: {  	[smem:$0x3FAE] =	sst s5  }
0xe: {  	[smem:$0x3FAF] =	sst s6  }
0xf: {  	[smem:$0x3FB0] =	sst s7  }
0x10: {  	[smem:$0x3FB1] =	sst s8  }
0x11: {  	[smem:$0x3FB2] =	sst s9;
	s0 =	simm.s32 @!p0 $0x0  }
0x12: {  	s1 =	sld [smem:$0x3F98];
	s0 =	simm.s32 @p0 $0x1  }
0x13: {  	[smem:$0x3FB3] =	sst s0;
	s0 =	simm.s32 @!p1 $0x0  }
0x14: {  	s2 =	sld [smem:$0x3F97];
	s0 =	simm.s32 @p1 $0x1  }
0x15: {  	[smem:$0x3FB4] =	sst s0;
	s0 =	simm.s32 @!p2 $0x0  }
0x16: {  	s3 =	sld [smem:$0x3FDB];
	s0 =	simm.s32 @p2 $0x1  }
0x17: {  	s4 =	simm.s32 $0x1BF5;
	[smem:$0x3FB6] =	sst s0  }
0x18: {  	s0 =	sld [smem:$0x3F99];
	_ =	swait.ge [sflag:s4], $0x0  }
0x19: {  	s7 =	sld [smem:$0x3F9A]  }
0x1a: {  	s8 =	sadd.s32 $0xFFFFE003, lr  }
0x1b: {  	s9 =	sadd.s32 $0xFFFFFEF7, lr;
	s5 =	simm.s32 $0xFFFFFFFF;
	p2 =	slt.u32 s8, $0xFFFFF086  }
0x1c: {  	p1 =	slt.u32 s9, $0xF7A;
	s5 =	simm.s32 @!p2 $0x0  }
0x1d: {  	s5 =	simm.s32 @p1 $0x1;
	p0 =	seq.s32 s7, s2  }
0x1e: {  	s7 =	smul.u32 @!p0 $0xF7A, s2;
	p2 =	seq.s32 @!p0 s5, $0x0  }
0x1f: {  	s9 =	smul.u32 $0xF7A, s1;
	s8 =	simm.s32 @!p0 $0x1BF5;
	p2 =	por !p2, p0  }
0x20: {  	[sflag:s8] =	ssyncset.s32 @!p0 $0xFFFFF086;
	s6 =	sadd.s32 @!p0 s3, s7;
	s7 =	simm.s32 @!p0 $0x108  }
0x21: {  	s3 =	sadd.s32 s3, s9;
	s6 =	sadd.s32 @!p0 $0x88, s6;
	s7 =	simm.s32 @p2 $0x1082  }
0x22: {  	[simem:s7], [sflag:s8] =	dma.local @!p0 [hbm:s6], $0xF7A  }
0x23: {  	s9 =	sor.u32 $0xD0000000, s2;
	s6 =	simm.s32 $0x108;
	_ =	swait.ge @!p0 [sflag:s8], $0x0  }
0x24: {  	s3 =	sadd.s32 $0x88, s3;
	s6 =	simm.s32 @!p1 $0x1082;
	[sflag:s4] =	ssyncset.s32 $0xFFFFF086  }
0x25: {  	[simem:s6], [sflag:s4] =	dma.local [hbm:s3], $0xF7A  }
0x26: {  	[smem:$0x3F9A] =	sst s1;
	(tag) =	ssettag s2;
	_ =	strace s9  }
0x27: {  	s1 =	sld [smem:$0x3FAA]  }
0x28: {  	s2 =	sld [smem:$0x3FAB]  }
0x29: {  	s4 =	sld [smem:$0x3FAD]  }
0x2a: {  	p0 =	seq.s32 s5, $0x0;
	s5 =	sld [smem:$0x3FAE]  }
0x2b: {  	s6 =	sld [smem:$0x3FAF]  }
0x2c: {  	s7 =	sld [smem:$0x3FB0]  }
0x2d: {  	s3 =	simm.s32 $0x108;
	s8 =	sld [smem:$0x3FB1]  }
0x2e: {  	s3 =	simm.s32 @!p0 $0x1082;
	s9 =	sld [smem:$0x3FB2]  }
0x2f: {  	lr =	sadd.s32 s0, s3;
	s0 =	sld [smem:$0x3FA9]  }
0x30: {  	s3 =	sld [smem:$0x3FAC]  }
0x31: {  	[smem:$0x3FB5] =	sst s10  }
0x32: {  	s10 =	sld [smem:$0x3FB3];
	_ =	sdelay $0x3  }
0x33: {  	p0 =	seq.s32 s10, $0x1;
	s10 =	sld [smem:$0x3FB5];
	_ =	sdelay $0x3  }
0x34: {  	[smem:$0x3FB5] =	sst s10  }
0x35: {  	s10 =	sld [smem:$0x3FB4];
	_ =	sdelay $0x3  }
0x36: {  	p1 =	seq.s32 s10, $0x1;
	s10 =	sld [smem:$0x3FB5];
	_ =	sdelay $0x3  }
0x37: {  	[smem:$0x3FB5] =	sst s10  }
0x38: {  	s10 =	sld [smem:$0x3FB6]  }
0x39: {  	_ = 	snop;
	(pc) =	sbr.ind lr, $3  }
0x3a: {  	_ = 	snop  }
0x3b: {  	_ = 	snop  }
0x3c: {  	p2 =	seq.s32 s10, $0x1;
	s10 =	sld [smem:$0x3FB5]  }
0x3d: {  	_ =	shalt  }
0x3e: {  	_ =	shalt  }
0x3f: {  	_ =	shalt  }
0x40: {  	_ =	shalt  }
0x41: {  	_ =	shalt  }
0x42: {  	_ =	shalt  }
0x43: {  	_ =	shalt  }
0x44: {  	_ =	shalt  }
0x45: {  	_ =	shalt  }
0x46: {  	_ =	shalt  }
0x47: {  	_ =	shalt  }
0x48: {  	_ =	shalt  }
0x49: {  	_ =	shalt  }
0x4a: {  	_ =	shalt  }
0x4b: {  	_ =	shalt  }
0x4c: {  	_ =	shalt  }
0x4d: {  	_ =	shalt  }
0x4e: {  	_ =	shalt  }
0x4f: {  	_ =	shalt  }
0x50: {  	_ =	shalt  }
0x51: {  	_ =	shalt  }
0x52: {  	_ =	shalt  }
0x53: {  	_ =	shalt  }
0x54: {  	_ =	shalt  }
0x55: {  	_ =	shalt  }
0x56: {  	_ =	shalt  }
0x57: {  	_ =	shalt  }
0x58: {  	_ =	shalt  }
0x59: {  	_ =	shalt  }
0x5a: {  	_ =	shalt  }
0x5b: {  	_ =	shalt  }
0x5c: {  	_ =	shalt  }
0x5d: {  	_ =	shalt  }
0x5e: {  	_ =	shalt  }
0x5f: {  	_ =	shalt  }
0x60: {  	_ =	shalt  }
0x61: {  	_ =	shalt  }
0x62: {  	_ =	shalt  }
0x63: {  	_ =	shalt  }
0x64: {  	_ =	shalt  }
0x65: {  	_ =	shalt  }
0x66: {  	_ =	shalt  }
0x67: {  	_ =	shalt  }
0x68: {  	_ =	shalt  }
0x69: {  	_ =	shalt  }
0x6a: {  	_ =	shalt  }
0x6b: {  	_ =	shalt  }
0x6c: {  	_ =	shalt  }
0x6d: {  	_ =	shalt  }
0x6e: {  	_ =	shalt  }
0x6f: {  	_ =	shalt  }
0x70: {  	_ =	shalt  }
0x71: {  	_ =	shalt  }
0x72: {  	_ =	shalt  }
0x73: {  	_ =	shalt  }
0x74: {  	_ =	shalt  }
0x75: {  	_ =	shalt  }
0x76: {  	_ =	shalt  }
0x77: {  	_ =	shalt  }
0x78: {  	_ =	shalt  }
0x79: {  	_ =	shalt  }
0x7a: {  	_ =	shalt  }
0x7b: {  	_ =	shalt  }
0x7c: {  	_ =	shalt  }
0x7d: {  	_ =	shalt  }
0x7e: {  	_ =	shalt  }
0x7f: {  	_ =	shalt  }
0x80: {  	_ =	shalt  }
0x81: {  	_ =	shalt  }
0x82: {  	_ =	shalt  }
0x83: {  	_ =	shalt  }
0x84: {  	_ =	shalt  }
0x85: {  	_ =	shalt  }
0x86: {  	_ =	shalt  }
0x87: {  	_ =	shalt  }
.Lfunc_end0:
.L_simem_size_0:
called_computation_lowered:
.L_overlay_start_0:
0x88: {  	s2 =	sld [smem:$0x3FD9]  }
0x89: {  	s3 =	sld [smem:$0x3FFE];
	_ =	sdelay $0x1  }
0x8a: {  	s1 =	srdreg.scid  }
0x8b: {  	s0 =	sand.u32 $0x1, s1  }
0x8c: {  	s16 =	sshll.u32 s0, $0xA;
	s2 =	sadd.s32 s3, s2  }
0x8d: {  	s2 =	sadd.s32 s2, s16  }
0x8e: {  	[smem:$0x3FC1] =	sst s2  }
0x8f: {  	_ = 	snop  }
0x90: {  	(tm) =	ssettm $0x1  }
0x91: {  	s17 =	sld [smem:$0x3FFB];
	_ =	sdelay $0x3  }
0x92: {  	_ =	strace s17  }
0x93: {  	s2 =	sld [smem:$0x3FFC];
	_ =	sdelay $0x3  }
0x94: {  	_ =	strace s2  }
0x95: {  	s2 =	sld [smem:$0x3FFD];
	_ =	sdelay $0x3  }
0x96: {  	_ =	strace s2  }
0x97: {  	_ =	strace $0x8FFFFFFF  }
0x98: {  	s18 =	sld [smem:$0x3FDB];
	_ =	sdelay $0x1  }
0x99: {  	s19 =	simm.s32 $_scs_section_size  }
0x9a: {  	s4 =	simm.s32 $_size__tile_overlayer_lowered;
	s5 =	simm.s32 $_tile_overlayer_lowered  }
0x9b: {  	s22 =	simm.s32 $0x1BFF;
	s21 =	sshll.u32 s5, $0x1;
	s2 =	sadd.s32 s19, s18  }
0x9c: {  	s6 =	simm.s32 $0x0;
	s20 =	sshll.u32 s4, $0x1;
	s4 =	sadd.s32 s21, s2  }
0x9d: {  	[timem:s6], [sflag:s22] =	dma.local [hbm:s4], s20  }
0x9e: {  	_ =	swait.ge [sflag:s22], s20  }
0x9f: {  	s3 =	ssub.s32 $0x0, s20;
	[sflag:s22] =	ssyncset.done $0x0  }
0xa0: {  	[sflag:s22] =	ssyncadd.s32 s3;
	_ =	sdelay $0x1  }
0xa1: {  	s23 =	simm.s32 $0x1B8B  }
0xa2: {  	_ =	swait.ge [sflag:s23], $0x1  }
0xa3: {  	[sflag:s23] =	ssyncset.done $0x0  }
0xa4: {  	s25 =	simm.s32 $0x1B8E;
	s24 =	sld [smem:$0x3FFE];
	[sflag:s23] =	ssyncadd.s32 $0xFFFFFFFF  }
0xa5: {  	s26 =	simm.s32 $execute0_lowered;
	[smem:$0x3FD2] =	sst s25  }
0xa6: {  	s4 =	sshll.u32 s26, $0x1;
	_ =	strace $0x80000046;
	[dreg:$0x1] =	wrdreg $0xFFFFFFFF  }
0xa7: {  	s28 =	simm.s32 $_size_execute0_lowered;
	s2 =	sadd.s32 s2, s4;
	[dreg:$0x0] =	wrdreg $0x0  }
0xa8: {  	s4 =	sshll.u32 s28, $0x1;
	[dreg:$0x2] =	wrdreg s2  }
0xa9: {  	[dreg:$0x3] =	wrdreg s4  }
0xaa: {  	[dreg:$0x4] =	wrdreg $0xC0  }
0xab: {  	_ =	task [dreg:s6], $0x5FFFF  }
0xac: {  	[dreg:$0x1] =	wrdreg $0xFFFFFFFF  }
0xad: {  	[dreg:$0x0] =	wrdreg $0x60  }
0xae: {  	[dreg:$0x2] =	wrdreg s24  }
0xaf: {  	[dreg:$0x3] =	wrdreg $0x9  }
0xb0: {  	_ =	task.clear_ibuf [dreg:s6], $0x4FFFF;
	_ =	strace $0x90000046  }
0xb1: {  	s29 =	simm.s32 $0x9;
	_ =	strace $0x80000048  }
0xb2: {  	_ =	swait.ge [sflag:s29], $0x1  }
0xb3: {  	[sflag:s29] =	ssyncadd.s32 $0xFFFFFFFF  }
0xb4: {  	_ =	strace $0x90000048  }
0xb5: {  	_ =	sfence  }
0xb6: {  	s30 =	sld [smem:$0x0];
	_ =	sdelay $0x2  }
0xb7: {  	s31 =	sshll.u32 s1, $0xD;
	s1 =	sshrl.u32 s1, $0x2  }
0xb8: {  	s3 =	sand.u32 $0x4000, s31;
	s1 =	sadd.s32 s1, s30  }
0xb9: {  	s0 =	sor.u32 s3, s0;
	s1 =	sshll.u32 s1, $0x11  }
0xba: {  	s0 =	sor.u32 s1, s0  }
0xbb: {  	s0 =	sadd.s32 $0x8F2B, s0  }
0xbc: {  	[sflag:s0] =	ssyncadd.remote.s32 $0x1  }
0xbd: {  	_ =	sfence.sel $0xFFFF  }
0xbe: {  	[dreg:$0x0] =	wrdreg $0xFFFFFFFF;
	(pc) =	sbr.abs _section_cstart, $3  }
0xbf: {  	[dreg:$0x1] =	wrdreg $0xFFFFFFFF  }
0xc0: {  	_ =	task.clear_ibuf [dreg:s6], $0x2FFFF;
	_ =	strace $0x9FFFFFFF  }
0xc1: {  	(tm) =	ssettm $0x7FFFFFFF  }
tec
execute0_lowered:
.L_overlay_start_1:
0x0: {  	(tag) =	ssettag $0x1  }
0x1: {  	s0 =	srdreg.scid  }
0x2: {  	s1 =	sshll.u32 s0, $0x4  }
0x3: {  	s0 =	stileid.u32;
	s1 =	sand.u32 $0x10, s1  }
0x4: {  	s1 =	sor.u32 s0, s1  }
0x5: {  	s9 =	rddreg [dreg:$0x0];
	s6 =	simm.s32 $0x1;
	s2 =	smin.u32 s1, $0x8  }
0x6: {  	p0 =	slt.u32 s1, $0x8;
	s2 =	sadd.s32 s1, s2;
	s1 =	simm.s32 $0x100  }
0x7: {  	s7 =	simm.s32 $0x2;
	s2 =	sshll.u32 s2, $0x7;
	s1 =	simm.s32 @!p0 $0x80  }
0x8: {  	s10 =	simm.s32 $0x3;
	s13 =	simm.s32 $0x0;
	s3 =	sadd.s32 s1, s2  }
0x9: {  	s12 =	simm.s32 $0x0;
	s4 =	sadd.s32 $0x186E00, s9;
	s3 =	smin.u32 s3, $0x1400  }
.Ltmp0:
0xa: {  	s5 =	sadd.s32 $0x186A00, s9;
	s8 =	ssub.s32 s3, s2;
	(pc) =	sbr.rel .LBB2_1-.Ltmp0, $4  }
0xb: {  	s1 =	rddreg [dreg:$0x1];
	_ =	strace $0x80000047;
	p0 =	sgt.s32 s8, $0x0  }
0xc: {  	s9 =	sadd.s32 $0x30DC00, s9;
	[sflag:s6] =	ssyncpa.u1 $0x0;
	s8 =	simm.s32 @!p0 $0x0  }
0xd: {  	s11 =	smov.u32 s2;
	[sflag:s7] =	ssyncpa.u1 $0x0;
	s8 =	sshrl.u32 s8, $0x7  }
0xe: {  	vm0 =	vmmov $0xff;
	vm1 =	vcmask $0x3F20;
	[sflag:s10] =	ssyncpa.u1 $0x0;
	p0 =	por $0x0, $0x0;
	s10 =	sadd.s32 $0x1, s8  }
.LBB2_6:
0xf: {  	[hbm:s17] =	stream.linear.scatter [tilespmem:s14], [sflag:$0x3], $0x400, $0x38;
	[tilespmem:$0x8100] =	vst v63  }
.LBB2_7:
0x10: {  	s13 =	sadd.s32 $0x80, s11  }
0x11: {  	s15 =	smov.u32 s2;
	p2 =	slt.s32 s13, s3  }
0x12: {  	s15 =	smov.u32 @p2 s13;
	p2 =	sne.s32 s12, s10  }
.Ltmp1:
0x13: {  	p1 =	slt.u32 s12, $0x2;
	(pc) =	sbr.rel @!p2 .LBB2_8-.Ltmp1, $4  }
0x14: {  	s14 =	simm.s32 @!p1 $0x3  }
0x15: {  	s16 =	sadd.s32 $0x1, s12;
	_ =	swait.ge @!p1 [sflag:s14], $0x4000  }
0x16: {  	p0 =	por !p0, !p0;
	s13 =	smov.u32 s11;
	[sflag:s14] =	ssyncset.done @!p1 $0x0  }
0x17: {  	s12 =	smov.u32 s16;
	s11 =	smov.u32 s15;
	[sflag:s14] =	ssyncadd.s32 @!p1 $0xFFFFC000  }
.LBB2_1:
0x18: {  	p1 =	sge.u32 s12, s8  }
0x19: {  	s14 =	sxor.u32 @!p1 $0xFFFFFFFF, s12  }
0x1a: {  	s31 =	sadd.s32 $0xFFFFFFFF, s12;
	s15 =	sshrl.u32 @!p1 s11, $0x3;
	s14 =	sshll.u32 @!p1 s14, $0x7  }
0x1b: {  	s16 =	sand.u32 @!p1 $0x7, s11;
	s15 =	sadd.s32 @!p1 s5, s15;
	s14 =	sand.u32 @!p1 $0x80, s14  }
0x1c: {  	[tilespmem:s14], [sflag:$0x2] =	stream.linear.gather @!p1 [hbm4b:s15+s16], $0x80, $0x38;
	[tilespmem:$0x8100] =	vst v63  }
0x1d: {  	p1 =	sge.u32 s31, s8  }
.Ltmp2:
0x1e: {  	_ = 	snop;
	(pc) =	sbr.rel @p1 .LBB2_7-.Ltmp2, $1  }
0x1f: {  	_ =	sdelay $0x3  }
0x20: {  	s14 =	simm.s32 $0x1  }
0x21: {  	_ =	swait.ge [sflag:s7], $0x80;
	s14 =	simm.s32 @!p0 $0x0  }
0x22: {  	[sflag:s7] =	ssyncset.done $0x0;
	s16 =	sshll.u32 s14, $0x7  }
0x23: {  	[sflag:s7] =	ssyncadd.s32 $0xFFFFFF80;
	s15 =	sadd.s32 $0x0, s16  }
0x24: {  	v0 =	vld.msk [tilespmem:s15+$0x0 ss:$0x1], $0xffff;
	_ =	sdelay $0x4  }
0x25: {  	vm2 =	vgt.s32 v0, $0x0  }
0x26: {  	v0 =	vnsel vm2, $0x0, v0  }
0x27: {  	v0 =	vmin.u32 v0, $0x1869F  }
0x28: {  	v0 =	vshll.u32 v0, $0x4;
	_ =	sdelay $0x2  }
0x29: {  	s14 =	sshll.u32 s14, $0xE  }
0x2a: {  	s14 =	sor.u32 $0x100, s14  }
0x2b: {  	[tilespmem:s14], [sflag:$0x1] =	stream.indirect_vreg.gather [hbm:s4], $0x80, v0, vm0, $0x38;
	[tilespmem:$0x8100] =	vst v63  }
0x2c: {  	s17 =	sadd.s32 $0x10, s16;
	s15 =	sadd.s32 $0x400, s14  }
0x2d: {  	[tilespmem:s15], [sflag:$0x1] =	stream.indirect_vreg.gather [hbm:s4], $0x80, v0, vm1, $0x38;
	[tilespmem:$0x8100] =	vst v63  }
0x2e: {  	s18 =	simm.s32 $0x80;
	v0 =	vld.msk [tilespmem:s17+$0x0 ss:$0x1], $0xffff;
	s17 =	smov.u32 s14  }
.LBB2_3:
0x2f: {  	p1 =	sne.s32 s18, $0x1C0;
	_ =	sdelay $0x4  }
0x30: {  	vm2 =	vgt.s32 v0, $0x0  }
0x31: {  	v0 =	vnsel vm2, $0x0, v0  }
0x32: {  	v0 =	vmin.u32 v0, $0x1869F  }
0x33: {  	v0 =	vshll.u32 v0, $0x4;
	_ =	sdelay $0x3  }
.Ltmp3:
0x34: {  	s19 =	sshra.s32 s18, $0x2;
	s17 =	sadd.s32 $0x800, s17;
	(pc) =	sbr.rel @p1 .LBB2_3-.Ltmp3, $4  }
0x35: {  	[tilespmem:s17], [sflag:$0x1] =	stream.indirect_vreg.gather [hbm:s4], $0x80, v0, vm0, $0x38;
	[tilespmem:$0x8100] =	vst v63  }
0x36: {  	s19 =	sadd.s32 s19, s16;
	s20 =	sadd.s32 $0x400, s17  }
0x37: {  	[tilespmem:s20], [sflag:$0x1] =	stream.indirect_vreg.gather [hbm:s4], $0x80, v0, vm1, $0x38;
	[tilespmem:$0x8100] =	vst v63  }
0x38: {  	s18 =	sadd.s32 $0x40, s18;
	v0 =	vld.msk [tilespmem:s19+$0x0 ss:$0x1], $0xffff  }
0x39: {  	_ =	sdelay $0x3  }
0x3a: {  	vm2 =	vgt.s32 v0, $0x0  }
0x3b: {  	v0 =	vnsel vm2, $0x0, v0  }
0x3c: {  	v0 =	vmin.u32 v0, $0x1869F  }
0x3d: {  	v0 =	vshll.u32 v0, $0x4;
	_ =	sdelay $0x3  }
0x3e: {  	s16 =	sadd.s32 $0x800, s17  }
0x3f: {  	[tilespmem:s16], [sflag:$0x1] =	stream.indirect_vreg.gather [hbm:s4], $0x80, v0, vm0, $0x38;
	[tilespmem:$0x8100] =	vst v63  }
0x40: {  	s16 =	sadd.s32 $0x400, s16  }
0x41: {  	[tilespmem:s16], [sflag:$0x1] =	stream.indirect_vreg.gather [hbm:s4], $0x80, v0, vm1, $0x38;
	[tilespmem:$0x8100] =	vst v63  }
0x42: {  	s13 =	sshll.u32 s13, $0x4;
	_ =	swait.ge [sflag:s6], $0x4000  }
0x43: {  	s13 =	sadd.s32 s13, s9;
	[sflag:s6] =	ssyncset.done $0x0  }
0x44: {  	s17 =	sadd.s32 $0x0, s13;
	s16 =	simm.s32 $0x80;
	[sflag:s6] =	ssyncadd.s32 $0xFFFFC000  }
.LBB2_5:
0x45: {  	[hbm:s17] =	stream.linear.scatter [tilespmem:s14], [sflag:$0x3], $0x400, $0x38;
	[tilespmem:$0x8100] =	vst v63  }
0x46: {  	s17 =	smov.u32 s16;
	s14 =	smov.u32 s15;
	p1 =	sne.s32 s16, $0x780  }
.Ltmp4:
0x47: {  	s16 =	sadd.s32 $0x80, s16;
	(pc) =	sbr.rel @p1 .LBB2_5-.Ltmp4, $2  }
0x48: {  	_ =	sdelay $0x2  }
0x49: {  	s15 =	sadd.s32 $0x400, s15;
	s17 =	sadd.s32 s17, s13  }
.Ltmp5:
0x4a: {  	_ = 	snop;
	(pc) =	sbr.rel .LBB2_6-.Ltmp5, $1  }
0x4b: {  	_ =	sdelay $0x3  }
.LBB2_8:
0x4c: {  	_ =	sfence.sel $0x180000  }
0x4d: {  	s2 =	simm.s32 $0x2;
	[bflag:$0x0] =	sbarrier.arrive $0xFFFF  }
0x4e: {  	s30 =	simm.s32 $0x3;
	[sflag:s2] =	ssyncpa.u1 $0x1  }
0x4f: {  	s31 =	simm.s32 $0x1;
	[sflag:s30] =	ssyncpa.u1 $0x1  }
0x50: {  	[sflag:s31] =	ssyncpa.u1 $0x1  }
0x51: {  	p0 =	sne.s32 s0, $0x0;
	_ =	strace $0x90000047  }
0x52: {  	s0 =	sadd.s32 @!p0 $0x100000, s1;
	[bflag:$0x2] =	sbarrier.arrive $0xFFFF  }
0x53: {  	[sflag:s0] =	ssyncadd.tile.s32 @!p0 $0x1;
	_ =	shalt  }
.Lfunc_end2:
_tile_overlayer_lowered:
.L_overlay_start_2:
0x54: {  	(tag) =	ssettag $0x2  }
0x55: {  	s0 =	rddreg [dreg:$0x0];
	s2 =	stileid.u32  }
0x56: {  	s1 =	rddreg [dreg:$0x1];
	p0 =	sne.s32 s2, $0x0  }
0x57: {  	s3 =	rddreg [dreg:$0x2];
	[bflag:$0x3] =	sbarrier.arrive $0xFFFF;
	s2 =	simm.s32 @!p0 $0x1C01  }
0x58: {  	[timem:s3], [sflag:s2] =	dma.local @!p0 [hbm:s0], s1  }
0x59: {  	s0 =	simm.s32 @!p0 $0x1  }
0x5a: {  	_ =	swait.ge @!p0 [sflag:s0], s1  }
0x5b: {  	s1 =	ssub.s32 @!p0 $0x0, s1;
	[sflag:s0] =	ssyncset.done @!p0 $0x0  }
0x5c: {  	[sflag:s0] =	ssyncadd.s32 @!p0 s1  }
0x5d: {  	[bflag:$0x3] =	sbarrier.arrive $0xFFFF  }
0x5e: {  	_ =	shalt  }

</sc_bundles>
